<compile_context>
chip_gen: v7x
topology: tpu7x:2x2x1
jax: 0.10.2.dev20260603
libtpu: 0.0.44.dev20260713+nightly
codegen_flags: <defaults>
</compile_context>

<pallas_src>
import functools
import math

import jax
import jax.numpy as jnp
from jax import lax
from jax.experimental import pallas as pl
from jax.experimental.pallas import tpu as pltpu
from jax.experimental.pallas import tpu_sc as plsc

_LN10 = math.log(10.0)

_INFO = plsc.get_sparse_core_info()
_NC = _INFO.num_cores
_NS = _INFO.num_subcores
_L = _INFO.num_lanes
_NW = _NC * _NS

_CHUNK = 128


@functools.lru_cache(maxsize=None)
def _build(B: int):
    assert B % (8 * _NW) == 0
    bw = B // _NW
    n_chunks = bw // _CHUNK
    assert n_chunks * _CHUNK == bw

    mesh = plsc.VectorSubcoreMesh(core_axis_name="c", subcore_axis_name="s")

    @functools.partial(
        pl.kernel,
        mesh=mesh,
        out_type=jax.ShapeDtypeStruct((B,), jnp.float32),
        scratch_types=[
            pltpu.VMEM((bw,), jnp.int32),
            pltpu.VMEM((bw,), jnp.float32),
            pltpu.VMEM((bw,), jnp.float32),
            pltpu.VMEM((bw,), jnp.float32),
            pltpu.VMEM((bw,), jnp.float32),
            pltpu.SemaphoreType.DMA,
            pltpu.SemaphoreType.DMA,
            pltpu.SemaphoreType.DMA,
            pltpu.SemaphoreType.DMA,
        ],
    )
    def k(fid_hbm, mu_hbm, ls_hbm, nz_hbm, out_hbm,
          idx_v, mu_v, ls_v, nz_v, out_v, idx_sem, g_sem, nz_sem, o_sem):
        wid = lax.axis_index("s") * _NC + lax.axis_index("c")
        base = wid * bw

        idx_cps = []
        for c in range(n_chunks):
            sl = pl.ds(c * _CHUNK, _CHUNK)
            idx_cps.append(pltpu.async_copy(
                fid_hbm.at[pl.ds(base + c * _CHUNK, _CHUNK)],
                idx_v.at[sl], idx_sem))
        nz_cp = pltpu.async_copy(nz_hbm.at[pl.ds(base, bw)], nz_v, nz_sem)

        g_cps = []
        for c in range(n_chunks):
            idx_cps[c].wait()
            sl = pl.ds(c * _CHUNK, _CHUNK)
            g_cps.append(
                pltpu.async_copy(mu_hbm.at[idx_v.at[sl]], mu_v.at[sl], g_sem))
            g_cps.append(
                pltpu.async_copy(ls_hbm.at[idx_v.at[sl]], ls_v.at[sl], g_sem))
        nz_cp.wait()

        vregs_per_chunk = _CHUNK // _L
        out_cps = []
        for c in range(n_chunks):
            g_cps[2 * c].wait()
            g_cps[2 * c + 1].wait()
            for j in range(vregs_per_chunk):
                sl = pl.ds(c * _CHUNK + j * _L, _L)
                sigma = jnp.exp(ls_v[sl])
                out_v[sl] = jnp.exp((mu_v[sl] + sigma * nz_v[sl]) * _LN10)
            out_cps.append(pltpu.async_copy(
                out_v.at[pl.ds(c * _CHUNK, _CHUNK)],
                out_hbm.at[pl.ds(base + c * _CHUNK, _CHUNK)], o_sem))
        for cp in out_cps:
            cp.wait()

    return k


def kernel(batch_size, family_ids, mu, log_sigma, noise):
    B = family_ids.shape[0]
    fids = family_ids.astype(jnp.int32)
    return _build(B)(
        fids,
        mu.astype(jnp.float32),
        log_sigma.astype(jnp.float32),
        noise.astype(jnp.float32),
    )

# --- scband reference (transcript-rebuilt; emitter-appended) ---
"""Pipeline reference for scband-log-normal-concentration-17308718202932 (READ-ONLY COPY).

The authoritative reference and input builder live on the scoring server;
editing this copy changes nothing except your own understanding.
"""

import jax, jax.numpy as jnp
import numpy as np
import math

N_FAMILIES = 1000000
BATCH = 16384
INIT_MEAN = -6.0
INIT_SCALE = 1.0

def setup_inputs(seed: int = 0) -> dict:
    key = jax.random.key(seed)
    k1, k2 = jax.random.split(key)
    family_ids = jax.random.randint(k1, (BATCH,), 0, N_FAMILIES)
    # reparameterization noise for rsample (standard normal), materialized for determinism
    noise = jax.random.normal(k2, (BATCH,), dtype=jnp.float32)
    # registered buffers from __init__
    mu = jnp.ones((N_FAMILIES,), dtype=jnp.float32) * INIT_MEAN
    log_sigma = jnp.ones((N_FAMILIES,), dtype=jnp.float32) * math.log(INIT_SCALE)
    return {"batch_size": BATCH, "family_ids": family_ids, "mu": mu, "log_sigma": log_sigma, "noise": noise}

def reference(batch_size, family_ids, mu, log_sigma, noise):
    # sample(): gather per-family params, rsample via reparameterization, 10**log_c
    batch_mu = jnp.take(mu, family_ids, axis=0)
    batch_sigma = jnp.exp(jnp.take(log_sigma, family_ids, axis=0))
    log_c = batch_mu + batch_sigma * noise  # Normal(mu, sigma).rsample()
    return jnp.power(10.0, log_c)

if __name__ == "__main__":
    import jax
    _d = setup_inputs()
    print(jax.jit(kernel)(*tuple(_d.values())))

</pallas_src>

<mosaic_0001>
#map = affine_map<(d0, d1) -> (0)>
module attributes {stable_mosaic.version = 14 : i64} {
  func.func @k(%arg0: i32, %arg1: i32, %arg2: memref<16384xi32, #tpu.memory_space<hbm>>, %arg3: memref<1000000xf32, #tpu.memory_space<hbm>>, %arg4: memref<1000000xf32, #tpu.memory_space<hbm>>, %arg5: memref<16384xf32, #tpu.memory_space<hbm>>, %arg6: memref<16384xf32, #tpu.memory_space<hbm>>, %arg7: memref<512xi32, #tpu.memory_space<vmem>>, %arg8: memref<512xf32, #tpu.memory_space<vmem>>, %arg9: memref<512xf32, #tpu.memory_space<vmem>>, %arg10: memref<512xf32, #tpu.memory_space<vmem>>, %arg11: memref<512xf32, #tpu.memory_space<vmem>>, %arg12: memref<!tpu.dma_semaphore, #tpu.memory_space<semaphore_mem>>, %arg13: memref<!tpu.dma_semaphore, #tpu.memory_space<semaphore_mem>>, %arg14: memref<!tpu.dma_semaphore, #tpu.memory_space<semaphore_mem>>, %arg15: memref<!tpu.dma_semaphore, #tpu.memory_space<semaphore_mem>>) attributes {dimension_semantics = [#tpu.dimension_semantics<core_parallel>, #tpu.dimension_semantics<subcore_parallel>], iteration_bounds = array<i64: 2, 16>, scalar_prefetch = 0 : i64, scratch_operands = 9 : i64, tpu.core_type = #tpu.core_type<sc_vector_subcore>, window_params = [{transform_indices = #map}, {transform_indices = #map}, {transform_indices = #map}, {transform_indices = #map}, {transform_indices = #map}]} {
    %mul3A = arith.constant 2 : i32
    %mul3A_0 = arith.muli %arg1, %mul3A : i32
    %add3A = arith.addi %mul3A_0, %arg0 : i32
    %mul3A_1 = arith.constant 512 : i32
    %mul3A_2 = arith.muli %add3A, %mul3A_1 : i32
    %add3A_3 = arith.constant 0 : i32
    %add3A_4 = arith.addi %mul3A_2, %add3A_3 : i32
    %dma_start3A = arith.constant 0 : i32
    %dma_start3A_5 = tpu.memref_slice %arg7[%dma_start3A] : memref<512xi32, #tpu.memory_space<vmem>> -> memref<128xi32, #tpu.memory_space<vmem>>
    %dma_start3A_6 = tpu.memref_slice %arg2[%add3A_4] : memref<16384xi32, #tpu.memory_space<hbm>> -> memref<128xi32, #tpu.memory_space<hbm>>
    %dma_start3A_7 = arith.constant 0 : i32
    %dma_start3A_8 = tpu.memref_slice %arg7[%dma_start3A_7] : memref<512xi32, #tpu.memory_space<vmem>> -> memref<128xi32, #tpu.memory_space<vmem>>
    %dma_start3A_9 = tpu.memref_slice %arg2[%add3A_4] : memref<16384xi32, #tpu.memory_space<hbm>> -> memref<128xi32, #tpu.memory_space<hbm>>
    tpu.enqueue_dma source(%dma_start3A_9 : memref<128xi32, #tpu.memory_space<hbm>>) target(%dma_start3A_8 : memref<128xi32, #tpu.memory_space<vmem>>) target_semaphore(%arg12 : memref<!tpu.dma_semaphore, #tpu.memory_space<semaphore_mem>>)
    %add3A_10 = arith.constant 128 : i32
    %add3A_11 = arith.addi %mul3A_2, %add3A_10 : i32
    %dma_start3A_12 = arith.constant 128 : i32
    %dma_start3A_13 = tpu.memref_slice %arg7[%dma_start3A_12] : memref<512xi32, #tpu.memory_space<vmem>> -> memref<128xi32, #tpu.memory_space<vmem>>
    %dma_start3A_14 = tpu.memref_slice %arg2[%add3A_11] : memref<16384xi32, #tpu.memory_space<hbm>> -> memref<128xi32, #tpu.memory_space<hbm>>
    %dma_start3A_15 = arith.constant 128 : i32
    %dma_start3A_16 = tpu.memref_slice %arg7[%dma_start3A_15] : memref<512xi32, #tpu.memory_space<vmem>> -> memref<128xi32, #tpu.memory_space<vmem>>
    %dma_start3A_17 = tpu.memref_slice %arg2[%add3A_11] : memref<16384xi32, #tpu.memory_space<hbm>> -> memref<128xi32, #tpu.memory_space<hbm>>
    tpu.enqueue_dma source(%dma_start3A_17 : memref<128xi32, #tpu.memory_space<hbm>>) target(%dma_start3A_16 : memref<128xi32, #tpu.memory_space<vmem>>) target_semaphore(%arg12 : memref<!tpu.dma_semaphore, #tpu.memory_space<semaphore_mem>>)
    %add3A_18 = arith.constant 256 : i32
    %add3A_19 = arith.addi %mul3A_2, %add3A_18 : i32
    %dma_start3A_20 = arith.constant 256 : i32
    %dma_start3A_21 = tpu.memref_slice %arg7[%dma_start3A_20] : memref<512xi32, #tpu.memory_space<vmem>> -> memref<128xi32, #tpu.memory_space<vmem>>
    %dma_start3A_22 = tpu.memref_slice %arg2[%add3A_19] : memref<16384xi32, #tpu.memory_space<hbm>> -> memref<128xi32, #tpu.memory_space<hbm>>
    %dma_start3A_23 = arith.constant 256 : i32
    %dma_start3A_24 = tpu.memref_slice %arg7[%dma_start3A_23] : memref<512xi32, #tpu.memory_space<vmem>> -> memref<128xi32, #tpu.memory_space<vmem>>
    %dma_start3A_25 = tpu.memref_slice %arg2[%add3A_19] : memref<16384xi32, #tpu.memory_space<hbm>> -> memref<128xi32, #tpu.memory_space<hbm>>
    tpu.enqueue_dma source(%dma_start3A_25 : memref<128xi32, #tpu.memory_space<hbm>>) target(%dma_start3A_24 : memref<128xi32, #tpu.memory_space<vmem>>) target_semaphore(%arg12 : memref<!tpu.dma_semaphore, #tpu.memory_space<semaphore_mem>>)
    %add3A_26 = arith.constant 384 : i32
    %add3A_27 = arith.addi %mul3A_2, %add3A_26 : i32
    %dma_start3A_28 = arith.constant 384 : i32
    %dma_start3A_29 = tpu.memref_slice %arg7[%dma_start3A_28] : memref<512xi32, #tpu.memory_space<vmem>> -> memref<128xi32, #tpu.memory_space<vmem>>
    %dma_start3A_30 = tpu.memref_slice %arg2[%add3A_27] : memref<16384xi32, #tpu.memory_space<hbm>> -> memref<128xi32, #tpu.memory_space<hbm>>
    %dma_start3A_31 = arith.constant 384 : i32
    %dma_start3A_32 = tpu.memref_slice %arg7[%dma_start3A_31] : memref<512xi32, #tpu.memory_space<vmem>> -> memref<128xi32, #tpu.memory_space<vmem>>
    %dma_start3A_33 = tpu.memref_slice %arg2[%add3A_27] : memref<16384xi32, #tpu.memory_space<hbm>> -> memref<128xi32, #tpu.memory_space<hbm>>
    tpu.enqueue_dma source(%dma_start3A_33 : memref<128xi32, #tpu.memory_space<hbm>>) target(%dma_start3A_32 : memref<128xi32, #tpu.memory_space<vmem>>) target_semaphore(%arg12 : memref<!tpu.dma_semaphore, #tpu.memory_space<semaphore_mem>>)
    %dma_start3A_34 = tpu.memref_slice %arg5[%mul3A_2] : memref<16384xf32, #tpu.memory_space<hbm>> -> memref<512xf32, #tpu.memory_space<hbm>>
    %dma_start3A_35 = tpu.memref_slice %arg5[%mul3A_2] : memref<16384xf32, #tpu.memory_space<hbm>> -> memref<512xf32, #tpu.memory_space<hbm>>
    tpu.enqueue_dma source(%dma_start3A_35 : memref<512xf32, #tpu.memory_space<hbm>>) target(%arg10 : memref<512xf32, #tpu.memory_space<vmem>>) target_semaphore(%arg14 : memref<!tpu.dma_semaphore, #tpu.memory_space<semaphore_mem>>)
    %dma_wait3A = arith.constant 0 : i32
    %dma_wait3A_36 = tpu.memref_slice %arg7[%dma_wait3A] : memref<512xi32, #tpu.memory_space<vmem>> -> memref<128xi32, #tpu.memory_space<vmem>>
    %dma_wait3A_37 = tpu.memref_slice %arg2[%add3A_4] : memref<16384xi32, #tpu.memory_space<hbm>> -> memref<128xi32, #tpu.memory_space<hbm>>
    %dma_wait3A_38 = arith.constant 0 : i32
    %dma_wait3A_39 = tpu.memref_slice %arg7[%dma_wait3A_38] : memref<512xi32, #tpu.memory_space<vmem>> -> memref<128xi32, #tpu.memory_space<vmem>>
    %dma_wait3A_40 = tpu.memref_slice %arg2[%add3A_4] : memref<16384xi32, #tpu.memory_space<hbm>> -> memref<128xi32, #tpu.memory_space<hbm>>
    tpu.wait_dma2 semaphore(%arg12 : memref<!tpu.dma_semaphore, #tpu.memory_space<semaphore_mem>>) src(%dma_wait3A_40 : memref<128xi32, #tpu.memory_space<hbm>>) dst(%dma_wait3A_39 : memref<128xi32, #tpu.memory_space<vmem>>)
    %dma_start3A_41 = arith.constant 0 : i32
    %dma_start3A_42 = tpu.memref_slice %arg8[%dma_start3A_41] : memref<512xf32, #tpu.memory_space<vmem>> -> memref<128xf32, #tpu.memory_space<vmem>>
    %dma_start3A_43 = arith.constant 0 : i32
    %dma_start3A_44 = tpu.memref_slice %arg7[%dma_start3A_43] : memref<512xi32, #tpu.memory_space<vmem>> -> memref<128xi32, #tpu.memory_space<vmem>>
    %dma_start3A_45 = arith.constant 0 : i32
    %dma_start3A_46 = tpu.memref_slice %arg3[%dma_start3A_45] : memref<1000000xf32, #tpu.memory_space<hbm>> -> memref<1000000xf32, #tpu.memory_space<hbm>>
    tpu.enqueue_indirect_dma source(%dma_start3A_46 : memref<1000000xf32, #tpu.memory_space<hbm>>) target(%dma_start3A_42 : memref<128xf32, #tpu.memory_space<vmem>>) offsets(%dma_start3A_44 : memref<128xi32, #tpu.memory_space<vmem>>) semaphore(%arg13 : memref<!tpu.dma_semaphore, #tpu.memory_space<semaphore_mem>>)
    %dma_start3A_47 = arith.constant 0 : i32
    %dma_start3A_48 = tpu.memref_slice %arg9[%dma_start3A_47] : memref<512xf32, #tpu.memory_space<vmem>> -> memref<128xf32, #tpu.memory_space<vmem>>
    %dma_start3A_49 = arith.constant 0 : i32
    %dma_start3A_50 = tpu.memref_slice %arg7[%dma_start3A_49] : memref<512xi32, #tpu.memory_space<vmem>> -> memref<128xi32, #tpu.memory_space<vmem>>
    %dma_start3A_51 = arith.constant 0 : i32
    %dma_start3A_52 = tpu.memref_slice %arg4[%dma_start3A_51] : memref<1000000xf32, #tpu.memory_space<hbm>> -> memref<1000000xf32, #tpu.memory_space<hbm>>
    tpu.enqueue_indirect_dma source(%dma_start3A_52 : memref<1000000xf32, #tpu.memory_space<hbm>>) target(%dma_start3A_48 : memref<128xf32, #tpu.memory_space<vmem>>) offsets(%dma_start3A_50 : memref<128xi32, #tpu.memory_space<vmem>>) semaphore(%arg13 : memref<!tpu.dma_semaphore, #tpu.memory_space<semaphore_mem>>)
    %dma_wait3A_53 = arith.constant 128 : i32
    %dma_wait3A_54 = tpu.memref_slice %arg7[%dma_wait3A_53] : memref<512xi32, #tpu.memory_space<vmem>> -> memref<128xi32, #tpu.memory_space<vmem>>
    %dma_wait3A_55 = tpu.memref_slice %arg2[%add3A_11] : memref<16384xi32, #tpu.memory_space<hbm>> -> memref<128xi32, #tpu.memory_space<hbm>>
    %dma_wait3A_56 = arith.constant 128 : i32
    %dma_wait3A_57 = tpu.memref_slice %arg7[%dma_wait3A_56] : memref<512xi32, #tpu.memory_space<vmem>> -> memref<128xi32, #tpu.memory_space<vmem>>
    %dma_wait3A_58 = tpu.memref_slice %arg2[%add3A_11] : memref<16384xi32, #tpu.memory_space<hbm>> -> memref<128xi32, #tpu.memory_space<hbm>>
    tpu.wait_dma2 semaphore(%arg12 : memref<!tpu.dma_semaphore, #tpu.memory_space<semaphore_mem>>) src(%dma_wait3A_58 : memref<128xi32, #tpu.memory_space<hbm>>) dst(%dma_wait3A_57 : memref<128xi32, #tpu.memory_space<vmem>>)
    %dma_start3A_59 = arith.constant 128 : i32
    %dma_start3A_60 = tpu.memref_slice %arg8[%dma_start3A_59] : memref<512xf32, #tpu.memory_space<vmem>> -> memref<128xf32, #tpu.memory_space<vmem>>
    %dma_start3A_61 = arith.constant 128 : i32
    %dma_start3A_62 = tpu.memref_slice %arg7[%dma_start3A_61] : memref<512xi32, #tpu.memory_space<vmem>> -> memref<128xi32, #tpu.memory_space<vmem>>
    %dma_start3A_63 = arith.constant 0 : i32
    %dma_start3A_64 = tpu.memref_slice %arg3[%dma_start3A_63] : memref<1000000xf32, #tpu.memory_space<hbm>> -> memref<1000000xf32, #tpu.memory_space<hbm>>
    tpu.enqueue_indirect_dma source(%dma_start3A_64 : memref<1000000xf32, #tpu.memory_space<hbm>>) target(%dma_start3A_60 : memref<128xf32, #tpu.memory_space<vmem>>) offsets(%dma_start3A_62 : memref<128xi32, #tpu.memory_space<vmem>>) semaphore(%arg13 : memref<!tpu.dma_semaphore, #tpu.memory_space<semaphore_mem>>)
    %dma_start3A_65 = arith.constant 128 : i32
    %dma_start3A_66 = tpu.memref_slice %arg9[%dma_start3A_65] : memref<512xf32, #tpu.memory_space<vmem>> -> memref<128xf32, #tpu.memory_space<vmem>>
    %dma_start3A_67 = arith.constant 128 : i32
    %dma_start3A_68 = tpu.memref_slice %arg7[%dma_start3A_67] : memref<512xi32, #tpu.memory_space<vmem>> -> memref<128xi32, #tpu.memory_space<vmem>>
    %dma_start3A_69 = arith.constant 0 : i32
    %dma_start3A_70 = tpu.memref_slice %arg4[%dma_start3A_69] : memref<1000000xf32, #tpu.memory_space<hbm>> -> memref<1000000xf32, #tpu.memory_space<hbm>>
    tpu.enqueue_indirect_dma source(%dma_start3A_70 : memref<1000000xf32, #tpu.memory_space<hbm>>) target(%dma_start3A_66 : memref<128xf32, #tpu.memory_space<vmem>>) offsets(%dma_start3A_68 : memref<128xi32, #tpu.memory_space<vmem>>) semaphore(%arg13 : memref<!tpu.dma_semaphore, #tpu.memory_space<semaphore_mem>>)
    %dma_wait3A_71 = arith.constant 256 : i32
    %dma_wait3A_72 = tpu.memref_slice %arg7[%dma_wait3A_71] : memref<512xi32, #tpu.memory_space<vmem>> -> memref<128xi32, #tpu.memory_space<vmem>>
    %dma_wait3A_73 = tpu.memref_slice %arg2[%add3A_19] : memref<16384xi32, #tpu.memory_space<hbm>> -> memref<128xi32, #tpu.memory_space<hbm>>
    %dma_wait3A_74 = arith.constant 256 : i32
    %dma_wait3A_75 = tpu.memref_slice %arg7[%dma_wait3A_74] : memref<512xi32, #tpu.memory_space<vmem>> -> memref<128xi32, #tpu.memory_space<vmem>>
    %dma_wait3A_76 = tpu.memref_slice %arg2[%add3A_19] : memref<16384xi32, #tpu.memory_space<hbm>> -> memref<128xi32, #tpu.memory_space<hbm>>
    tpu.wait_dma2 semaphore(%arg12 : memref<!tpu.dma_semaphore, #tpu.memory_space<semaphore_mem>>) src(%dma_wait3A_76 : memref<128xi32, #tpu.memory_space<hbm>>) dst(%dma_wait3A_75 : memref<128xi32, #tpu.memory_space<vmem>>)
    %dma_start3A_77 = arith.constant 256 : i32
    %dma_start3A_78 = tpu.memref_slice %arg8[%dma_start3A_77] : memref<512xf32, #tpu.memory_space<vmem>> -> memref<128xf32, #tpu.memory_space<vmem>>
    %dma_start3A_79 = arith.constant 256 : i32
    %dma_start3A_80 = tpu.memref_slice %arg7[%dma_start3A_79] : memref<512xi32, #tpu.memory_space<vmem>> -> memref<128xi32, #tpu.memory_space<vmem>>
    %dma_start3A_81 = arith.constant 0 : i32
    %dma_start3A_82 = tpu.memref_slice %arg3[%dma_start3A_81] : memref<1000000xf32, #tpu.memory_space<hbm>> -> memref<1000000xf32, #tpu.memory_space<hbm>>
    tpu.enqueue_indirect_dma source(%dma_start3A_82 : memref<1000000xf32, #tpu.memory_space<hbm>>) target(%dma_start3A_78 : memref<128xf32, #tpu.memory_space<vmem>>) offsets(%dma_start3A_80 : memref<128xi32, #tpu.memory_space<vmem>>) semaphore(%arg13 : memref<!tpu.dma_semaphore, #tpu.memory_space<semaphore_mem>>)
    %dma_start3A_83 = arith.constant 256 : i32
    %dma_start3A_84 = tpu.memref_slice %arg9[%dma_start3A_83] : memref<512xf32, #tpu.memory_space<vmem>> -> memref<128xf32, #tpu.memory_space<vmem>>
    %dma_start3A_85 = arith.constant 256 : i32
    %dma_start3A_86 = tpu.memref_slice %arg7[%dma_start3A_85] : memref<512xi32, #tpu.memory_space<vmem>> -> memref<128xi32, #tpu.memory_space<vmem>>
    %dma_start3A_87 = arith.constant 0 : i32
    %dma_start3A_88 = tpu.memref_slice %arg4[%dma_start3A_87] : memref<1000000xf32, #tpu.memory_space<hbm>> -> memref<1000000xf32, #tpu.memory_space<hbm>>
    tpu.enqueue_indirect_dma source(%dma_start3A_88 : memref<1000000xf32, #tpu.memory_space<hbm>>) target(%dma_start3A_84 : memref<128xf32, #tpu.memory_space<vmem>>) offsets(%dma_start3A_86 : memref<128xi32, #tpu.memory_space<vmem>>) semaphore(%arg13 : memref<!tpu.dma_semaphore, #tpu.memory_space<semaphore_mem>>)
    %dma_wait3A_89 = arith.constant 384 : i32
    %dma_wait3A_90 = tpu.memref_slice %arg7[%dma_wait3A_89] : memref<512xi32, #tpu.memory_space<vmem>> -> memref<128xi32, #tpu.memory_space<vmem>>
    %dma_wait3A_91 = tpu.memref_slice %arg2[%add3A_27] : memref<16384xi32, #tpu.memory_space<hbm>> -> memref<128xi32, #tpu.memory_space<hbm>>
    %dma_wait3A_92 = arith.constant 384 : i32
    %dma_wait3A_93 = tpu.memref_slice %arg7[%dma_wait3A_92] : memref<512xi32, #tpu.memory_space<vmem>> -> memref<128xi32, #tpu.memory_space<vmem>>
    %dma_wait3A_94 = tpu.memref_slice %arg2[%add3A_27] : memref<16384xi32, #tpu.memory_space<hbm>> -> memref<128xi32, #tpu.memory_space<hbm>>
    tpu.wait_dma2 semaphore(%arg12 : memref<!tpu.dma_semaphore, #tpu.memory_space<semaphore_mem>>) src(%dma_wait3A_94 : memref<128xi32, #tpu.memory_space<hbm>>) dst(%dma_wait3A_93 : memref<128xi32, #tpu.memory_space<vmem>>)
    %dma_start3A_95 = arith.constant 384 : i32
    %dma_start3A_96 = tpu.memref_slice %arg8[%dma_start3A_95] : memref<512xf32, #tpu.memory_space<vmem>> -> memref<128xf32, #tpu.memory_space<vmem>>
    %dma_start3A_97 = arith.constant 384 : i32
    %dma_start3A_98 = tpu.memref_slice %arg7[%dma_start3A_97] : memref<512xi32, #tpu.memory_space<vmem>> -> memref<128xi32, #tpu.memory_space<vmem>>
    %dma_start3A_99 = arith.constant 0 : i32
    %dma_start3A_100 = tpu.memref_slice %arg3[%dma_start3A_99] : memref<1000000xf32, #tpu.memory_space<hbm>> -> memref<1000000xf32, #tpu.memory_space<hbm>>
    tpu.enqueue_indirect_dma source(%dma_start3A_100 : memref<1000000xf32, #tpu.memory_space<hbm>>) target(%dma_start3A_96 : memref<128xf32, #tpu.memory_space<vmem>>) offsets(%dma_start3A_98 : memref<128xi32, #tpu.memory_space<vmem>>) semaphore(%arg13 : memref<!tpu.dma_semaphore, #tpu.memory_space<semaphore_mem>>)
    %dma_start3A_101 = arith.constant 384 : i32
    %dma_start3A_102 = tpu.memref_slice %arg9[%dma_start3A_101] : memref<512xf32, #tpu.memory_space<vmem>> -> memref<128xf32, #tpu.memory_space<vmem>>
    %dma_start3A_103 = arith.constant 384 : i32
    %dma_start3A_104 = tpu.memref_slice %arg7[%dma_start3A_103] : memref<512xi32, #tpu.memory_space<vmem>> -> memref<128xi32, #tpu.memory_space<vmem>>
    %dma_start3A_105 = arith.constant 0 : i32
    %dma_start3A_106 = tpu.memref_slice %arg4[%dma_start3A_105] : memref<1000000xf32, #tpu.memory_space<hbm>> -> memref<1000000xf32, #tpu.memory_space<hbm>>
    tpu.enqueue_indirect_dma source(%dma_start3A_106 : memref<1000000xf32, #tpu.memory_space<hbm>>) target(%dma_start3A_102 : memref<128xf32, #tpu.memory_space<vmem>>) offsets(%dma_start3A_104 : memref<128xi32, #tpu.memory_space<vmem>>) semaphore(%arg13 : memref<!tpu.dma_semaphore, #tpu.memory_space<semaphore_mem>>)
    %dma_wait3A_107 = tpu.memref_slice %arg5[%mul3A_2] : memref<16384xf32, #tpu.memory_space<hbm>> -> memref<512xf32, #tpu.memory_space<hbm>>
    %dma_wait3A_108 = tpu.memref_slice %arg5[%mul3A_2] : memref<16384xf32, #tpu.memory_space<hbm>> -> memref<512xf32, #tpu.memory_space<hbm>>
    tpu.wait_dma2 semaphore(%arg14 : memref<!tpu.dma_semaphore, #tpu.memory_space<semaphore_mem>>) src(%dma_wait3A_108 : memref<512xf32, #tpu.memory_space<hbm>>) dst(%arg10 : memref<512xf32, #tpu.memory_space<vmem>>)
    %dma_wait3A_109 = arith.constant 0 : i32
    %dma_wait3A_110 = tpu.memref_slice %arg8[%dma_wait3A_109] : memref<512xf32, #tpu.memory_space<vmem>> -> memref<128xf32, #tpu.memory_space<vmem>>
    %dma_wait3A_111 = arith.constant 0 : i32
    %dma_wait3A_112 = tpu.memref_slice %arg7[%dma_wait3A_111] : memref<512xi32, #tpu.memory_space<vmem>> -> memref<128xi32, #tpu.memory_space<vmem>>
    %dma_wait3A_113 = arith.constant 0 : i32
    %dma_wait3A_114 = tpu.memref_slice %arg3[%dma_wait3A_113] : memref<1000000xf32, #tpu.memory_space<hbm>> -> memref<1000000xf32, #tpu.memory_space<hbm>>
    tpu.wait_indirect_dma semaphore(%arg13 : memref<!tpu.dma_semaphore, #tpu.memory_space<semaphore_mem>>) src(%dma_wait3A_114 : memref<1000000xf32, #tpu.memory_space<hbm>>) dst(%dma_wait3A_110 : memref<128xf32, #tpu.memory_space<vmem>>)
    %dma_wait3A_115 = arith.constant 0 : i32
    %dma_wait3A_116 = tpu.memref_slice %arg9[%dma_wait3A_115] : memref<512xf32, #tpu.memory_space<vmem>> -> memref<128xf32, #tpu.memory_space<vmem>>
    %dma_wait3A_117 = arith.constant 0 : i32
    %dma_wait3A_118 = tpu.memref_slice %arg7[%dma_wait3A_117] : memref<512xi32, #tpu.memory_space<vmem>> -> memref<128xi32, #tpu.memory_space<vmem>>
    %dma_wait3A_119 = arith.constant 0 : i32
    %dma_wait3A_120 = tpu.memref_slice %arg4[%dma_wait3A_119] : memref<1000000xf32, #tpu.memory_space<hbm>> -> memref<1000000xf32, #tpu.memory_space<hbm>>
    tpu.wait_indirect_dma semaphore(%arg13 : memref<!tpu.dma_semaphore, #tpu.memory_space<semaphore_mem>>) src(%dma_wait3A_120 : memref<1000000xf32, #tpu.memory_space<hbm>>) dst(%dma_wait3A_116 : memref<128xf32, #tpu.memory_space<vmem>>)
    %get3A = arith.constant 0 : index
    %get3A_121 = tpu.vector_load %arg9[%get3A] {strides = array<i32>} : memref<512xf32, #tpu.memory_space<vmem>>, vector<16xf32>,
    %get3A_122 = vector.shape_cast %get3A_121 : vector<16xf32> to vector<16xf32>
    %exp3A = math.exp %get3A_122 : vector<16xf32>
    %get3A_123 = arith.constant 0 : index
    %get3A_124 = tpu.vector_load %arg8[%get3A_123] {strides = array<i32>} : memref<512xf32, #tpu.memory_space<vmem>>, vector<16xf32>,
    %get3A_125 = vector.shape_cast %get3A_124 : vector<16xf32> to vector<16xf32>
    %get3A_126 = arith.constant 0 : index
    %get3A_127 = tpu.vector_load %arg10[%get3A_126] {strides = array<i32>} : memref<512xf32, #tpu.memory_space<vmem>>, vector<16xf32>,
    %get3A_128 = vector.shape_cast %get3A_127 : vector<16xf32> to vector<16xf32>
    %mul3A_129 = arith.mulf %exp3A, %get3A_128 : vector<16xf32>
    %add3A_130 = arith.addf %get3A_125, %mul3A_129 : vector<16xf32>
    %mul3A_131 = arith.constant 2.30258512 : f32
    %mul3A_132 = vector.broadcast %mul3A_131 : f32 to vector<16xf32>
    %mul3A_133 = arith.mulf %add3A_130, %mul3A_132 : vector<16xf32>
    %exp3A_134 = math.exp %mul3A_133 : vector<16xf32>
    %swap3A = arith.constant 0 : index
    %swap3A_135 = tpu.vector_load %arg11[%swap3A] {strides = array<i32>} : memref<512xf32, #tpu.memory_space<vmem>>, vector<16xf32>,
    %swap3A_136 = vector.shape_cast %swap3A_135 : vector<16xf32> to vector<16xf32>
    %swap3A_137 = vector.shape_cast %exp3A_134 : vector<16xf32> to vector<16xf32>
    tpu.vector_store %arg11[%swap3A], %swap3A_137 {strides = array<i32>} : memref<512xf32, #tpu.memory_space<vmem>>, vector<16xf32>,
    %get3A_138 = arith.constant 16 : index
    %get3A_139 = tpu.vector_load %arg9[%get3A_138] {strides = array<i32>} : memref<512xf32, #tpu.memory_space<vmem>>, vector<16xf32>,
    %get3A_140 = vector.shape_cast %get3A_139 : vector<16xf32> to vector<16xf32>
    %exp3A_141 = math.exp %get3A_140 : vector<16xf32>
    %get3A_142 = arith.constant 16 : index
    %get3A_143 = tpu.vector_load %arg8[%get3A_142] {strides = array<i32>} : memref<512xf32, #tpu.memory_space<vmem>>, vector<16xf32>,
    %get3A_144 = vector.shape_cast %get3A_143 : vector<16xf32> to vector<16xf32>
    %get3A_145 = arith.constant 16 : index
    %get3A_146 = tpu.vector_load %arg10[%get3A_145] {strides = array<i32>} : memref<512xf32, #tpu.memory_space<vmem>>, vector<16xf32>,
    %get3A_147 = vector.shape_cast %get3A_146 : vector<16xf32> to vector<16xf32>
    %mul3A_148 = arith.mulf %exp3A_141, %get3A_147 : vector<16xf32>
    %add3A_149 = arith.addf %get3A_144, %mul3A_148 : vector<16xf32>
    %mul3A_150 = arith.constant 2.30258512 : f32
    %mul3A_151 = vector.broadcast %mul3A_150 : f32 to vector<16xf32>
    %mul3A_152 = arith.mulf %add3A_149, %mul3A_151 : vector<16xf32>
    %exp3A_153 = math.exp %mul3A_152 : vector<16xf32>
    %swap3A_154 = arith.constant 16 : index
    %swap3A_155 = tpu.vector_load %arg11[%swap3A_154] {strides = array<i32>} : memref<512xf32, #tpu.memory_space<vmem>>, vector<16xf32>,
    %swap3A_156 = vector.shape_cast %swap3A_155 : vector<16xf32> to vector<16xf32>
    %swap3A_157 = vector.shape_cast %exp3A_153 : vector<16xf32> to vector<16xf32>
    tpu.vector_store %arg11[%swap3A_154], %swap3A_157 {strides = array<i32>} : memref<512xf32, #tpu.memory_space<vmem>>, vector<16xf32>,
    %get3A_158 = arith.constant 32 : index
    %get3A_159 = tpu.vector_load %arg9[%get3A_158] {strides = array<i32>} : memref<512xf32, #tpu.memory_space<vmem>>, vector<16xf32>,
    %get3A_160 = vector.shape_cast %get3A_159 : vector<16xf32> to vector<16xf32>
    %exp3A_161 = math.exp %get3A_160 : vector<16xf32>
    %get3A_162 = arith.constant 32 : index
    %get3A_163 = tpu.vector_load %arg8[%get3A_162] {strides = array<i32>} : memref<512xf32, #tpu.memory_space<vmem>>, vector<16xf32>,
    %get3A_164 = vector.shape_cast %get3A_163 : vector<16xf32> to vector<16xf32>
    %get3A_165 = arith.constant 32 : index
    %get3A_166 = tpu.vector_load %arg10[%get3A_165] {strides = array<i32>} : memref<512xf32, #tpu.memory_space<vmem>>, vector<16xf32>,
    %get3A_167 = vector.shape_cast %get3A_166 : vector<16xf32> to vector<16xf32>
    %mul3A_168 = arith.mulf %exp3A_161, %get3A_167 : vector<16xf32>
    %add3A_169 = arith.addf %get3A_164, %mul3A_168 : vector<16xf32>
    %mul3A_170 = arith.constant 2.30258512 : f32
    %mul3A_171 = vector.broadcast %mul3A_170 : f32 to vector<16xf32>
    %mul3A_172 = arith.mulf %add3A_169, %mul3A_171 : vector<16xf32>
    %exp3A_173 = math.exp %mul3A_172 : vector<16xf32>
    %swap3A_174 = arith.constant 32 : index
    %swap3A_175 = tpu.vector_load %arg11[%swap3A_174] {strides = array<i32>} : memref<512xf32, #tpu.memory_space<vmem>>, vector<16xf32>,
    %swap3A_176 = vector.shape_cast %swap3A_175 : vector<16xf32> to vector<16xf32>
    %swap3A_177 = vector.shape_cast %exp3A_173 : vector<16xf32> to vector<16xf32>
    tpu.vector_store %arg11[%swap3A_174], %swap3A_177 {strides = array<i32>} : memref<512xf32, #tpu.memory_space<vmem>>, vector<16xf32>,
    %get3A_178 = arith.constant 48 : index
    %get3A_179 = tpu.vector_load %arg9[%get3A_178] {strides = array<i32>} : memref<512xf32, #tpu.memory_space<vmem>>, vector<16xf32>,
    %get3A_180 = vector.shape_cast %get3A_179 : vector<16xf32> to vector<16xf32>
    %exp3A_181 = math.exp %get3A_180 : vector<16xf32>
    %get3A_182 = arith.constant 48 : index
    %get3A_183 = tpu.vector_load %arg8[%get3A_182] {strides = array<i32>} : memref<512xf32, #tpu.memory_space<vmem>>, vector<16xf32>,
    %get3A_184 = vector.shape_cast %get3A_183 : vector<16xf32> to vector<16xf32>
    %get3A_185 = arith.constant 48 : index
    %get3A_186 = tpu.vector_load %arg10[%get3A_185] {strides = array<i32>} : memref<512xf32, #tpu.memory_space<vmem>>, vector<16xf32>,
    %get3A_187 = vector.shape_cast %get3A_186 : vector<16xf32> to vector<16xf32>
    %mul3A_188 = arith.mulf %exp3A_181, %get3A_187 : vector<16xf32>
    %add3A_189 = arith.addf %get3A_184, %mul3A_188 : vector<16xf32>
    %mul3A_190 = arith.constant 2.30258512 : f32
    %mul3A_191 = vector.broadcast %mul3A_190 : f32 to vector<16xf32>
    %mul3A_192 = arith.mulf %add3A_189, %mul3A_191 : vector<16xf32>
    %exp3A_193 = math.exp %mul3A_192 : vector<16xf32>
    %swap3A_194 = arith.constant 48 : index
    %swap3A_195 = tpu.vector_load %arg11[%swap3A_194] {strides = array<i32>} : memref<512xf32, #tpu.memory_space<vmem>>, vector<16xf32>,
    %swap3A_196 = vector.shape_cast %swap3A_195 : vector<16xf32> to vector<16xf32>
    %swap3A_197 = vector.shape_cast %exp3A_193 : vector<16xf32> to vector<16xf32>
    tpu.vector_store %arg11[%swap3A_194], %swap3A_197 {strides = array<i32>} : memref<512xf32, #tpu.memory_space<vmem>>, vector<16xf32>,
    %get3A_198 = arith.constant 64 : index
    %get3A_199 = tpu.vector_load %arg9[%get3A_198] {strides = array<i32>} : memref<512xf32, #tpu.memory_space<vmem>>, vector<16xf32>,
    %get3A_200 = vector.shape_cast %get3A_199 : vector<16xf32> to vector<16xf32>
    %exp3A_201 = math.exp %get3A_200 : vector<16xf32>
    %get3A_202 = arith.constant 64 : index
    %get3A_203 = tpu.vector_load %arg8[%get3A_202] {strides = array<i32>} : memref<512xf32, #tpu.memory_space<vmem>>, vector<16xf32>,
    %get3A_204 = vector.shape_cast %get3A_203 : vector<16xf32> to vector<16xf32>
    %get3A_205 = arith.constant 64 : index
    %get3A_206 = tpu.vector_load %arg10[%get3A_205] {strides = array<i32>} : memref<512xf32, #tpu.memory_space<vmem>>, vector<16xf32>,
    %get3A_207 = vector.shape_cast %get3A_206 : vector<16xf32> to vector<16xf32>
    %mul3A_208 = arith.mulf %exp3A_201, %get3A_207 : vector<16xf32>
    %add3A_209 = arith.addf %get3A_204, %mul3A_208 : vector<16xf32>
    %mul3A_210 = arith.constant 2.30258512 : f32
    %mul3A_211 = vector.broadcast %mul3A_210 : f32 to vector<16xf32>
    %mul3A_212 = arith.mulf %add3A_209, %mul3A_211 : vector<16xf32>
    %exp3A_213 = math.exp %mul3A_212 : vector<16xf32>
    %swap3A_214 = arith.constant 64 : index
    %swap3A_215 = tpu.vector_load %arg11[%swap3A_214] {strides = array<i32>} : memref<512xf32, #tpu.memory_space<vmem>>, vector<16xf32>,
    %swap3A_216 = vector.shape_cast %swap3A_215 : vector<16xf32> to vector<16xf32>
    %swap3A_217 = vector.shape_cast %exp3A_213 : vector<16xf32> to vector<16xf32>
    tpu.vector_store %arg11[%swap3A_214], %swap3A_217 {strides = array<i32>} : memref<512xf32, #tpu.memory_space<vmem>>, vector<16xf32>,
    %get3A_218 = arith.constant 80 : index
    %get3A_219 = tpu.vector_load %arg9[%get3A_218] {strides = array<i32>} : memref<512xf32, #tpu.memory_space<vmem>>, vector<16xf32>,
    %get3A_220 = vector.shape_cast %get3A_219 : vector<16xf32> to vector<16xf32>
    %exp3A_221 = math.exp %get3A_220 : vector<16xf32>
    %get3A_222 = arith.constant 80 : index
    %get3A_223 = tpu.vector_load %arg8[%get3A_222] {strides = array<i32>} : memref<512xf32, #tpu.memory_space<vmem>>, vector<16xf32>,
    %get3A_224 = vector.shape_cast %get3A_223 : vector<16xf32> to vector<16xf32>
    %get3A_225 = arith.constant 80 : index
    %get3A_226 = tpu.vector_load %arg10[%get3A_225] {strides = array<i32>} : memref<512xf32, #tpu.memory_space<vmem>>, vector<16xf32>,
    %get3A_227 = vector.shape_cast %get3A_226 : vector<16xf32> to vector<16xf32>
    %mul3A_228 = arith.mulf %exp3A_221, %get3A_227 : vector<16xf32>
    %add3A_229 = arith.addf %get3A_224, %mul3A_228 : vector<16xf32>
    %mul3A_230 = arith.constant 2.30258512 : f32
    %mul3A_231 = vector.broadcast %mul3A_230 : f32 to vector<16xf32>
    %mul3A_232 = arith.mulf %add3A_229, %mul3A_231 : vector<16xf32>
    %exp3A_233 = math.exp %mul3A_232 : vector<16xf32>
    %swap3A_234 = arith.constant 80 : index
    %swap3A_235 = tpu.vector_load %arg11[%swap3A_234] {strides = array<i32>} : memref<512xf32, #tpu.memory_space<vmem>>, vector<16xf32>,
    %swap3A_236 = vector.shape_cast %swap3A_235 : vector<16xf32> to vector<16xf32>
    %swap3A_237 = vector.shape_cast %exp3A_233 : vector<16xf32> to vector<16xf32>
    tpu.vector_store %arg11[%swap3A_234], %swap3A_237 {strides = array<i32>} : memref<512xf32, #tpu.memory_space<vmem>>, vector<16xf32>,
    %get3A_238 = arith.constant 96 : index
    %get3A_239 = tpu.vector_load %arg9[%get3A_238] {strides = array<i32>} : memref<512xf32, #tpu.memory_space<vmem>>, vector<16xf32>,
    %get3A_240 = vector.shape_cast %get3A_239 : vector<16xf32> to vector<16xf32>
    %exp3A_241 = math.exp %get3A_240 : vector<16xf32>
    %get3A_242 = arith.constant 96 : index
    %get3A_243 = tpu.vector_load %arg8[%get3A_242] {strides = array<i32>} : memref<512xf32, #tpu.memory_space<vmem>>, vector<16xf32>,
    %get3A_244 = vector.shape_cast %get3A_243 : vector<16xf32> to vector<16xf32>
    %get3A_245 = arith.constant 96 : index
    %get3A_246 = tpu.vector_load %arg10[%get3A_245] {strides = array<i32>} : memref<512xf32, #tpu.memory_space<vmem>>, vector<16xf32>,
    %get3A_247 = vector.shape_cast %get3A_246 : vector<16xf32> to vector<16xf32>
    %mul3A_248 = arith.mulf %exp3A_241, %get3A_247 : vector<16xf32>
    %add3A_249 = arith.addf %get3A_244, %mul3A_248 : vector<16xf32>
    %mul3A_250 = arith.constant 2.30258512 : f32
    %mul3A_251 = vector.broadcast %mul3A_250 : f32 to vector<16xf32>
    %mul3A_252 = arith.mulf %add3A_249, %mul3A_251 : vector<16xf32>
    %exp3A_253 = math.exp %mul3A_252 : vector<16xf32>
    %swap3A_254 = arith.constant 96 : index
    %swap3A_255 = tpu.vector_load %arg11[%swap3A_254] {strides = array<i32>} : memref<512xf32, #tpu.memory_space<vmem>>, vector<16xf32>,
    %swap3A_256 = vector.shape_cast %swap3A_255 : vector<16xf32> to vector<16xf32>
    %swap3A_257 = vector.shape_cast %exp3A_253 : vector<16xf32> to vector<16xf32>
    tpu.vector_store %arg11[%swap3A_254], %swap3A_257 {strides = array<i32>} : memref<512xf32, #tpu.memory_space<vmem>>, vector<16xf32>,
    %get3A_258 = arith.constant 112 : index
    %get3A_259 = tpu.vector_load %arg9[%get3A_258] {strides = array<i32>} : memref<512xf32, #tpu.memory_space<vmem>>, vector<16xf32>,
    %get3A_260 = vector.shape_cast %get3A_259 : vector<16xf32> to vector<16xf32>
    %exp3A_261 = math.exp %get3A_260 : vector<16xf32>
    %get3A_262 = arith.constant 112 : index
    %get3A_263 = tpu.vector_load %arg8[%get3A_262] {strides = array<i32>} : memref<512xf32, #tpu.memory_space<vmem>>, vector<16xf32>,
    %get3A_264 = vector.shape_cast %get3A_263 : vector<16xf32> to vector<16xf32>
    %get3A_265 = arith.constant 112 : index
    %get3A_266 = tpu.vector_load %arg10[%get3A_265] {strides = array<i32>} : memref<512xf32, #tpu.memory_space<vmem>>, vector<16xf32>,
    %get3A_267 = vector.shape_cast %get3A_266 : vector<16xf32> to vector<16xf32>
    %mul3A_268 = arith.mulf %exp3A_261, %get3A_267 : vector<16xf32>
    %add3A_269 = arith.addf %get3A_264, %mul3A_268 : vector<16xf32>
    %mul3A_270 = arith.constant 2.30258512 : f32
    %mul3A_271 = vector.broadcast %mul3A_270 : f32 to vector<16xf32>
    %mul3A_272 = arith.mulf %add3A_269, %mul3A_271 : vector<16xf32>
    %exp3A_273 = math.exp %mul3A_272 : vector<16xf32>
    %swap3A_274 = arith.constant 112 : index
    %swap3A_275 = tpu.vector_load %arg11[%swap3A_274] {strides = array<i32>} : memref<512xf32, #tpu.memory_space<vmem>>, vector<16xf32>,
    %swap3A_276 = vector.shape_cast %swap3A_275 : vector<16xf32> to vector<16xf32>
    %swap3A_277 = vector.shape_cast %exp3A_273 : vector<16xf32> to vector<16xf32>
    tpu.vector_store %arg11[%swap3A_274], %swap3A_277 {strides = array<i32>} : memref<512xf32, #tpu.memory_space<vmem>>, vector<16xf32>,
    %add3A_278 = arith.constant 0 : i32
    %add3A_279 = arith.addi %mul3A_2, %add3A_278 : i32
    %dma_start3A_280 = arith.constant 0 : i32
    %dma_start3A_281 = tpu.memref_slice %arg11[%dma_start3A_280] : memref<512xf32, #tpu.memory_space<vmem>> -> memref<128xf32, #tpu.memory_space<vmem>>
    %dma_start3A_282 = tpu.memref_slice %arg6[%add3A_279] : memref<16384xf32, #tpu.memory_space<hbm>> -> memref<128xf32, #tpu.memory_space<hbm>>
    %dma_start3A_283 = tpu.memref_slice %arg6[%add3A_279] : memref<16384xf32, #tpu.memory_space<hbm>> -> memref<128xf32, #tpu.memory_space<hbm>>
    %dma_start3A_284 = arith.constant 0 : i32
    %dma_start3A_285 = tpu.memref_slice %arg11[%dma_start3A_284] : memref<512xf32, #tpu.memory_space<vmem>> -> memref<128xf32, #tpu.memory_space<vmem>>
    tpu.enqueue_dma source(%dma_start3A_285 : memref<128xf32, #tpu.memory_space<vmem>>) target(%dma_start3A_283 : memref<128xf32, #tpu.memory_space<hbm>>) target_semaphore(%arg15 : memref<!tpu.dma_semaphore, #tpu.memory_space<semaphore_mem>>)
    %dma_wait3A_286 = arith.constant 128 : i32
    %dma_wait3A_287 = tpu.memref_slice %arg8[%dma_wait3A_286] : memref<512xf32, #tpu.memory_space<vmem>> -> memref<128xf32, #tpu.memory_space<vmem>>
    %dma_wait3A_288 = arith.constant 128 : i32
    %dma_wait3A_289 = tpu.memref_slice %arg7[%dma_wait3A_288] : memref<512xi32, #tpu.memory_space<vmem>> -> memref<128xi32, #tpu.memory_space<vmem>>
    %dma_wait3A_290 = arith.constant 0 : i32
    %dma_wait3A_291 = tpu.memref_slice %arg3[%dma_wait3A_290] : memref<1000000xf32, #tpu.memory_space<hbm>> -> memref<1000000xf32, #tpu.memory_space<hbm>>
    tpu.wait_indirect_dma semaphore(%arg13 : memref<!tpu.dma_semaphore, #tpu.memory_space<semaphore_mem>>) src(%dma_wait3A_291 : memref<1000000xf32, #tpu.memory_space<hbm>>) dst(%dma_wait3A_287 : memref<128xf32, #tpu.memory_space<vmem>>)
    %dma_wait3A_292 = arith.constant 128 : i32
    %dma_wait3A_293 = tpu.memref_slice %arg9[%dma_wait3A_292] : memref<512xf32, #tpu.memory_space<vmem>> -> memref<128xf32, #tpu.memory_space<vmem>>
    %dma_wait3A_294 = arith.constant 128 : i32
    %dma_wait3A_295 = tpu.memref_slice %arg7[%dma_wait3A_294] : memref<512xi32, #tpu.memory_space<vmem>> -> memref<128xi32, #tpu.memory_space<vmem>>
    %dma_wait3A_296 = arith.constant 0 : i32
    %dma_wait3A_297 = tpu.memref_slice %arg4[%dma_wait3A_296] : memref<1000000xf32, #tpu.memory_space<hbm>> -> memref<1000000xf32, #tpu.memory_space<hbm>>
    tpu.wait_indirect_dma semaphore(%arg13 : memref<!tpu.dma_semaphore, #tpu.memory_space<semaphore_mem>>) src(%dma_wait3A_297 : memref<1000000xf32, #tpu.memory_space<hbm>>) dst(%dma_wait3A_293 : memref<128xf32, #tpu.memory_space<vmem>>)
    %get3A_298 = arith.constant 128 : index
    %get3A_299 = tpu.vector_load %arg9[%get3A_298] {strides = array<i32>} : memref<512xf32, #tpu.memory_space<vmem>>, vector<16xf32>,
    %get3A_300 = vector.shape_cast %get3A_299 : vector<16xf32> to vector<16xf32>
    %exp3A_301 = math.exp %get3A_300 : vector<16xf32>
    %get3A_302 = arith.constant 128 : index
    %get3A_303 = tpu.vector_load %arg8[%get3A_302] {strides = array<i32>} : memref<512xf32, #tpu.memory_space<vmem>>, vector<16xf32>,
    %get3A_304 = vector.shape_cast %get3A_303 : vector<16xf32> to vector<16xf32>
    %get3A_305 = arith.constant 128 : index
    %get3A_306 = tpu.vector_load %arg10[%get3A_305] {strides = array<i32>} : memref<512xf32, #tpu.memory_space<vmem>>, vector<16xf32>,
    %get3A_307 = vector.shape_cast %get3A_306 : vector<16xf32> to vector<16xf32>
    %mul3A_308 = arith.mulf %exp3A_301, %get3A_307 : vector<16xf32>
    %add3A_309 = arith.addf %get3A_304, %mul3A_308 : vector<16xf32>
    %mul3A_310 = arith.constant 2.30258512 : f32
    %mul3A_311 = vector.broadcast %mul3A_310 : f32 to vector<16xf32>
    %mul3A_312 = arith.mulf %add3A_309, %mul3A_311 : vector<16xf32>
    %exp3A_313 = math.exp %mul3A_312 : vector<16xf32>
    %swap3A_314 = arith.constant 128 : index
    %swap3A_315 = tpu.vector_load %arg11[%swap3A_314] {strides = array<i32>} : memref<512xf32, #tpu.memory_space<vmem>>, vector<16xf32>,
    %swap3A_316 = vector.shape_cast %swap3A_315 : vector<16xf32> to vector<16xf32>
    %swap3A_317 = vector.shape_cast %exp3A_313 : vector<16xf32> to vector<16xf32>
    tpu.vector_store %arg11[%swap3A_314], %swap3A_317 {strides = array<i32>} : memref<512xf32, #tpu.memory_space<vmem>>, vector<16xf32>,
    %get3A_318 = arith.constant 144 : index
    %get3A_319 = tpu.vector_load %arg9[%get3A_318] {strides = array<i32>} : memref<512xf32, #tpu.memory_space<vmem>>, vector<16xf32>,
    %get3A_320 = vector.shape_cast %get3A_319 : vector<16xf32> to vector<16xf32>
    %exp3A_321 = math.exp %get3A_320 : vector<16xf32>
    %get3A_322 = arith.constant 144 : index
    %get3A_323 = tpu.vector_load %arg8[%get3A_322] {strides = array<i32>} : memref<512xf32, #tpu.memory_space<vmem>>, vector<16xf32>,
    %get3A_324 = vector.shape_cast %get3A_323 : vector<16xf32> to vector<16xf32>
    %get3A_325 = arith.constant 144 : index
    %get3A_326 = tpu.vector_load %arg10[%get3A_325] {strides = array<i32>} : memref<512xf32, #tpu.memory_space<vmem>>, vector<16xf32>,
    %get3A_327 = vector.shape_cast %get3A_326 : vector<16xf32> to vector<16xf32>
    %mul3A_328 = arith.mulf %exp3A_321, %get3A_327 : vector<16xf32>
    %add3A_329 = arith.addf %get3A_324, %mul3A_328 : vector<16xf32>
    %mul3A_330 = arith.constant 2.30258512 : f32
    %mul3A_331 = vector.broadcast %mul3A_330 : f32 to vector<16xf32>
    %mul3A_332 = arith.mulf %add3A_329, %mul3A_331 : vector<16xf32>
    %exp3A_333 = math.exp %mul3A_332 : vector<16xf32>
    %swap3A_334 = arith.constant 144 : index
    %swap3A_335 = tpu.vector_load %arg11[%swap3A_334] {strides = array<i32>} : memref<512xf32, #tpu.memory_space<vmem>>, vector<16xf32>,
    %swap3A_336 = vector.shape_cast %swap3A_335 : vector<16xf32> to vector<16xf32>
    %swap3A_337 = vector.shape_cast %exp3A_333 : vector<16xf32> to vector<16xf32>
    tpu.vector_store %arg11[%swap3A_334], %swap3A_337 {strides = array<i32>} : memref<512xf32, #tpu.memory_space<vmem>>, vector<16xf32>,
    %get3A_338 = arith.constant 160 : index
    %get3A_339 = tpu.vector_load %arg9[%get3A_338] {strides = array<i32>} : memref<512xf32, #tpu.memory_space<vmem>>, vector<16xf32>,
    %get3A_340 = vector.shape_cast %get3A_339 : vector<16xf32> to vector<16xf32>
    %exp3A_341 = math.exp %get3A_340 : vector<16xf32>
    %get3A_342 = arith.constant 160 : index
    %get3A_343 = tpu.vector_load %arg8[%get3A_342] {strides = array<i32>} : memref<512xf32, #tpu.memory_space<vmem>>, vector<16xf32>,
    %get3A_344 = vector.shape_cast %get3A_343 : vector<16xf32> to vector<16xf32>
    %get3A_345 = arith.constant 160 : index
    %get3A_346 = tpu.vector_load %arg10[%get3A_345] {strides = array<i32>} : memref<512xf32, #tpu.memory_space<vmem>>, vector<16xf32>,
    %get3A_347 = vector.shape_cast %get3A_346 : vector<16xf32> to vector<16xf32>
    %mul3A_348 = arith.mulf %exp3A_341, %get3A_347 : vector<16xf32>
    %add3A_349 = arith.addf %get3A_344, %mul3A_348 : vector<16xf32>
    %mul3A_350 = arith.constant 2.30258512 : f32
    %mul3A_351 = vector.broadcast %mul3A_350 : f32 to vector<16xf32>
    %mul3A_352 = arith.mulf %add3A_349, %mul3A_351 : vector<16xf32>
    %exp3A_353 = math.exp %mul3A_352 : vector<16xf32>
    %swap3A_354 = arith.constant 160 : index
    %swap3A_355 = tpu.vector_load %arg11[%swap3A_354] {strides = array<i32>} : memref<512xf32, #tpu.memory_space<vmem>>, vector<16xf32>,
    %swap3A_356 = vector.shape_cast %swap3A_355 : vector<16xf32> to vector<16xf32>
    %swap3A_357 = vector.shape_cast %exp3A_353 : vector<16xf32> to vector<16xf32>
    tpu.vector_store %arg11[%swap3A_354], %swap3A_357 {strides = array<i32>} : memref<512xf32, #tpu.memory_space<vmem>>, vector<16xf32>,
    %get3A_358 = arith.constant 176 : index
    %get3A_359 = tpu.vector_load %arg9[%get3A_358] {strides = array<i32>} : memref<512xf32, #tpu.memory_space<vmem>>, vector<16xf32>,
    %get3A_360 = vector.shape_cast %get3A_359 : vector<16xf32> to vector<16xf32>
    %exp3A_361 = math.exp %get3A_360 : vector<16xf32>
    %get3A_362 = arith.constant 176 : index
    %get3A_363 = tpu.vector_load %arg8[%get3A_362] {strides = array<i32>} : memref<512xf32, #tpu.memory_space<vmem>>, vector<16xf32>,
    %get3A_364 = vector.shape_cast %get3A_363 : vector<16xf32> to vector<16xf32>
    %get3A_365 = arith.constant 176 : index
    %get3A_366 = tpu.vector_load %arg10[%get3A_365] {strides = array<i32>} : memref<512xf32, #tpu.memory_space<vmem>>, vector<16xf32>,
    %get3A_367 = vector.shape_cast %get3A_366 : vector<16xf32> to vector<16xf32>
    %mul3A_368 = arith.mulf %exp3A_361, %get3A_367 : vector<16xf32>
    %add3A_369 = arith.addf %get3A_364, %mul3A_368 : vector<16xf32>
    %mul3A_370 = arith.constant 2.30258512 : f32
    %mul3A_371 = vector.broadcast %mul3A_370 : f32 to vector<16xf32>
    %mul3A_372 = arith.mulf %add3A_369, %mul3A_371 : vector<16xf32>
    %exp3A_373 = math.exp %mul3A_372 : vector<16xf32>
    %swap3A_374 = arith.constant 176 : index
    %swap3A_375 = tpu.vector_load %arg11[%swap3A_374] {strides = array<i32>} : memref<512xf32, #tpu.memory_space<vmem>>, vector<16xf32>,
    %swap3A_376 = vector.shape_cast %swap3A_375 : vector<16xf32> to vector<16xf32>
    %swap3A_377 = vector.shape_cast %exp3A_373 : vector<16xf32> to vector<16xf32>
    tpu.vector_store %arg11[%swap3A_374], %swap3A_377 {strides = array<i32>} : memref<512xf32, #tpu.memory_space<vmem>>, vector<16xf32>,
    %get3A_378 = arith.constant 192 : index
    %get3A_379 = tpu.vector_load %arg9[%get3A_378] {strides = array<i32>} : memref<512xf32, #tpu.memory_space<vmem>>, vector<16xf32>,
    %get3A_380 = vector.shape_cast %get3A_379 : vector<16xf32> to vector<16xf32>
    %exp3A_381 = math.exp %get3A_380 : vector<16xf32>
    %get3A_382 = arith.constant 192 : index
    %get3A_383 = tpu.vector_load %arg8[%get3A_382] {strides = array<i32>} : memref<512xf32, #tpu.memory_space<vmem>>, vector<16xf32>,
    %get3A_384 = vector.shape_cast %get3A_383 : vector<16xf32> to vector<16xf32>
    %get3A_385 = arith.constant 192 : index
    %get3A_386 = tpu.vector_load %arg10[%get3A_385] {strides = array<i32>} : memref<512xf32, #tpu.memory_space<vmem>>, vector<16xf32>,
    %get3A_387 = vector.shape_cast %get3A_386 : vector<16xf32> to vector<16xf32>
    %mul3A_388 = arith.mulf %exp3A_381, %get3A_387 : vector<16xf32>
    %add3A_389 = arith.addf %get3A_384, %mul3A_388 : vector<16xf32>
    %mul3A_390 = arith.constant 2.30258512 : f32
    %mul3A_391 = vector.broadcast %mul3A_390 : f32 to vector<16xf32>
    %mul3A_392 = arith.mulf %add3A_389, %mul3A_391 : vector<16xf32>
    %exp3A_393 = math.exp %mul3A_392 : vector<16xf32>
    %swap3A_394 = arith.constant 192 : index
    %swap3A_395 = tpu.vector_load %arg11[%swap3A_394] {strides = array<i32>} : memref<512xf32, #tpu.memory_space<vmem>>, vector<16xf32>,
    %swap3A_396 = vector.shape_cast %swap3A_395 : vector<16xf32> to vector<16xf32>
    %swap3A_397 = vector.shape_cast %exp3A_393 : vector<16xf32> to vector<16xf32>
    tpu.vector_store %arg11[%swap3A_394], %swap3A_397 {strides = array<i32>} : memref<512xf32, #tpu.memory_space<vmem>>, vector<16xf32>,
    %get3A_398 = arith.constant 208 : index
    %get3A_399 = tpu.vector_load %arg9[%get3A_398] {strides = array<i32>} : memref<512xf32, #tpu.memory_space<vmem>>, vector<16xf32>,
    %get3A_400 = vector.shape_cast %get3A_399 : vector<16xf32> to vector<16xf32>
    %exp3A_401 = math.exp %get3A_400 : vector<16xf32>
    %get3A_402 = arith.constant 208 : index
    %get3A_403 = tpu.vector_load %arg8[%get3A_402] {strides = array<i32>} : memref<512xf32, #tpu.memory_space<vmem>>, vector<16xf32>,
    %get3A_404 = vector.shape_cast %get3A_403 : vector<16xf32> to vector<16xf32>
    %get3A_405 = arith.constant 208 : index
    %get3A_406 = tpu.vector_load %arg10[%get3A_405] {strides = array<i32>} : memref<512xf32, #tpu.memory_space<vmem>>, vector<16xf32>,
    %get3A_407 = vector.shape_cast %get3A_406 : vector<16xf32> to vector<16xf32>
    %mul3A_408 = arith.mulf %exp3A_401, %get3A_407 : vector<16xf32>
    %add3A_409 = arith.addf %get3A_404, %mul3A_408 : vector<16xf32>
    %mul3A_410 = arith.constant 2.30258512 : f32
    %mul3A_411 = vector.broadcast %mul3A_410 : f32 to vector<16xf32>
    %mul3A_412 = arith.mulf %add3A_409, %mul3A_411 : vector<16xf32>
    %exp3A_413 = math.exp %mul3A_412 : vector<16xf32>
    %swap3A_414 = arith.constant 208 : index
    %swap3A_415 = tpu.vector_load %arg11[%swap3A_414] {strides = array<i32>} : memref<512xf32, #tpu.memory_space<vmem>>, vector<16xf32>,
    %swap3A_416 = vector.shape_cast %swap3A_415 : vector<16xf32> to vector<16xf32>
    %swap3A_417 = vector.shape_cast %exp3A_413 : vector<16xf32> to vector<16xf32>
    tpu.vector_store %arg11[%swap3A_414], %swap3A_417 {strides = array<i32>} : memref<512xf32, #tpu.memory_space<vmem>>, vector<16xf32>,
    %get3A_418 = arith.constant 224 : index
    %get3A_419 = tpu.vector_load %arg9[%get3A_418] {strides = array<i32>} : memref<512xf32, #tpu.memory_space<vmem>>, vector<16xf32>,
    %get3A_420 = vector.shape_cast %get3A_419 : vector<16xf32> to vector<16xf32>
    %exp3A_421 = math.exp %get3A_420 : vector<16xf32>
    %get3A_422 = arith.constant 224 : index
    %get3A_423 = tpu.vector_load %arg8[%get3A_422] {strides = array<i32>} : memref<512xf32, #tpu.memory_space<vmem>>, vector<16xf32>,
    %get3A_424 = vector.shape_cast %get3A_423 : vector<16xf32> to vector<16xf32>
    %get3A_425 = arith.constant 224 : index
    %get3A_426 = tpu.vector_load %arg10[%get3A_425] {strides = array<i32>} : memref<512xf32, #tpu.memory_space<vmem>>, vector<16xf32>,
    %get3A_427 = vector.shape_cast %get3A_426 : vector<16xf32> to vector<16xf32>
    %mul3A_428 = arith.mulf %exp3A_421, %get3A_427 : vector<16xf32>
    %add3A_429 = arith.addf %get3A_424, %mul3A_428 : vector<16xf32>
    %mul3A_430 = arith.constant 2.30258512 : f32
    %mul3A_431 = vector.broadcast %mul3A_430 : f32 to vector<16xf32>
    %mul3A_432 = arith.mulf %add3A_429, %mul3A_431 : vector<16xf32>
    %exp3A_433 = math.exp %mul3A_432 : vector<16xf32>
    %swap3A_434 = arith.constant 224 : index
    %swap3A_435 = tpu.vector_load %arg11[%swap3A_434] {strides = array<i32>} : memref<512xf32, #tpu.memory_space<vmem>>, vector<16xf32>,
    %swap3A_436 = vector.shape_cast %swap3A_435 : vector<16xf32> to vector<16xf32>
    %swap3A_437 = vector.shape_cast %exp3A_433 : vector<16xf32> to vector<16xf32>
    tpu.vector_store %arg11[%swap3A_434], %swap3A_437 {strides = array<i32>} : memref<512xf32, #tpu.memory_space<vmem>>, vector<16xf32>,
    %get3A_438 = arith.constant 240 : index
    %get3A_439 = tpu.vector_load %arg9[%get3A_438] {strides = array<i32>} : memref<512xf32, #tpu.memory_space<vmem>>, vector<16xf32>,
    %get3A_440 = vector.shape_cast %get3A_439 : vector<16xf32> to vector<16xf32>
    %exp3A_441 = math.exp %get3A_440 : vector<16xf32>
    %get3A_442 = arith.constant 240 : index
    %get3A_443 = tpu.vector_load %arg8[%get3A_442] {strides = array<i32>} : memref<512xf32, #tpu.memory_space<vmem>>, vector<16xf32>,
    %get3A_444 = vector.shape_cast %get3A_443 : vector<16xf32> to vector<16xf32>
    %get3A_445 = arith.constant 240 : index
    %get3A_446 = tpu.vector_load %arg10[%get3A_445] {strides = array<i32>} : memref<512xf32, #tpu.memory_space<vmem>>, vector<16xf32>,
    %get3A_447 = vector.shape_cast %get3A_446 : vector<16xf32> to vector<16xf32>
    %mul3A_448 = arith.mulf %exp3A_441, %get3A_447 : vector<16xf32>
    %add3A_449 = arith.addf %get3A_444, %mul3A_448 : vector<16xf32>
    %mul3A_450 = arith.constant 2.30258512 : f32
    %mul3A_451 = vector.broadcast %mul3A_450 : f32 to vector<16xf32>
    %mul3A_452 = arith.mulf %add3A_449, %mul3A_451 : vector<16xf32>
    %exp3A_453 = math.exp %mul3A_452 : vector<16xf32>
    %swap3A_454 = arith.constant 240 : index
    %swap3A_455 = tpu.vector_load %arg11[%swap3A_454] {strides = array<i32>} : memref<512xf32, #tpu.memory_space<vmem>>, vector<16xf32>,
    %swap3A_456 = vector.shape_cast %swap3A_455 : vector<16xf32> to vector<16xf32>
    %swap3A_457 = vector.shape_cast %exp3A_453 : vector<16xf32> to vector<16xf32>
    tpu.vector_store %arg11[%swap3A_454], %swap3A_457 {strides = array<i32>} : memref<512xf32, #tpu.memory_space<vmem>>, vector<16xf32>,
    %add3A_458 = arith.constant 128 : i32
    %add3A_459 = arith.addi %mul3A_2, %add3A_458 : i32
    %dma_start3A_460 = arith.constant 128 : i32
    %dma_start3A_461 = tpu.memref_slice %arg11[%dma_start3A_460] : memref<512xf32, #tpu.memory_space<vmem>> -> memref<128xf32, #tpu.memory_space<vmem>>
    %dma_start3A_462 = tpu.memref_slice %arg6[%add3A_459] : memref<16384xf32, #tpu.memory_space<hbm>> -> memref<128xf32, #tpu.memory_space<hbm>>
    %dma_start3A_463 = tpu.memref_slice %arg6[%add3A_459] : memref<16384xf32, #tpu.memory_space<hbm>> -> memref<128xf32, #tpu.memory_space<hbm>>
    %dma_start3A_464 = arith.constant 128 : i32
    %dma_start3A_465 = tpu.memref_slice %arg11[%dma_start3A_464] : memref<512xf32, #tpu.memory_space<vmem>> -> memref<128xf32, #tpu.memory_space<vmem>>
    tpu.enqueue_dma source(%dma_start3A_465 : memref<128xf32, #tpu.memory_space<vmem>>) target(%dma_start3A_463 : memref<128xf32, #tpu.memory_space<hbm>>) target_semaphore(%arg15 : memref<!tpu.dma_semaphore, #tpu.memory_space<semaphore_mem>>)
    %dma_wait3A_466 = arith.constant 256 : i32
    %dma_wait3A_467 = tpu.memref_slice %arg8[%dma_wait3A_466] : memref<512xf32, #tpu.memory_space<vmem>> -> memref<128xf32, #tpu.memory_space<vmem>>
    %dma_wait3A_468 = arith.constant 256 : i32
    %dma_wait3A_469 = tpu.memref_slice %arg7[%dma_wait3A_468] : memref<512xi32, #tpu.memory_space<vmem>> -> memref<128xi32, #tpu.memory_space<vmem>>
    %dma_wait3A_470 = arith.constant 0 : i32
    %dma_wait3A_471 = tpu.memref_slice %arg3[%dma_wait3A_470] : memref<1000000xf32, #tpu.memory_space<hbm>> -> memref<1000000xf32, #tpu.memory_space<hbm>>
    tpu.wait_indirect_dma semaphore(%arg13 : memref<!tpu.dma_semaphore, #tpu.memory_space<semaphore_mem>>) src(%dma_wait3A_471 : memref<1000000xf32, #tpu.memory_space<hbm>>) dst(%dma_wait3A_467 : memref<128xf32, #tpu.memory_space<vmem>>)
    %dma_wait3A_472 = arith.constant 256 : i32
    %dma_wait3A_473 = tpu.memref_slice %arg9[%dma_wait3A_472] : memref<512xf32, #tpu.memory_space<vmem>> -> memref<128xf32, #tpu.memory_space<vmem>>
    %dma_wait3A_474 = arith.constant 256 : i32
    %dma_wait3A_475 = tpu.memref_slice %arg7[%dma_wait3A_474] : memref<512xi32, #tpu.memory_space<vmem>> -> memref<128xi32, #tpu.memory_space<vmem>>
    %dma_wait3A_476 = arith.constant 0 : i32
    %dma_wait3A_477 = tpu.memref_slice %arg4[%dma_wait3A_476] : memref<1000000xf32, #tpu.memory_space<hbm>> -> memref<1000000xf32, #tpu.memory_space<hbm>>
    tpu.wait_indirect_dma semaphore(%arg13 : memref<!tpu.dma_semaphore, #tpu.memory_space<semaphore_mem>>) src(%dma_wait3A_477 : memref<1000000xf32, #tpu.memory_space<hbm>>) dst(%dma_wait3A_473 : memref<128xf32, #tpu.memory_space<vmem>>)
    %get3A_478 = arith.constant 256 : index
    %get3A_479 = tpu.vector_load %arg9[%get3A_478] {strides = array<i32>} : memref<512xf32, #tpu.memory_space<vmem>>, vector<16xf32>,
    %get3A_480 = vector.shape_cast %get3A_479 : vector<16xf32> to vector<16xf32>
    %exp3A_481 = math.exp %get3A_480 : vector<16xf32>
    %get3A_482 = arith.constant 256 : index
    %get3A_483 = tpu.vector_load %arg8[%get3A_482] {strides = array<i32>} : memref<512xf32, #tpu.memory_space<vmem>>, vector<16xf32>,
    %get3A_484 = vector.shape_cast %get3A_483 : vector<16xf32> to vector<16xf32>
    %get3A_485 = arith.constant 256 : index
    %get3A_486 = tpu.vector_load %arg10[%get3A_485] {strides = array<i32>} : memref<512xf32, #tpu.memory_space<vmem>>, vector<16xf32>,
    %get3A_487 = vector.shape_cast %get3A_486 : vector<16xf32> to vector<16xf32>
    %mul3A_488 = arith.mulf %exp3A_481, %get3A_487 : vector<16xf32>
    %add3A_489 = arith.addf %get3A_484, %mul3A_488 : vector<16xf32>
    %mul3A_490 = arith.constant 2.30258512 : f32
    %mul3A_491 = vector.broadcast %mul3A_490 : f32 to vector<16xf32>
    %mul3A_492 = arith.mulf %add3A_489, %mul3A_491 : vector<16xf32>
    %exp3A_493 = math.exp %mul3A_492 : vector<16xf32>
    %swap3A_494 = arith.constant 256 : index
    %swap3A_495 = tpu.vector_load %arg11[%swap3A_494] {strides = array<i32>} : memref<512xf32, #tpu.memory_space<vmem>>, vector<16xf32>,
    %swap3A_496 = vector.shape_cast %swap3A_495 : vector<16xf32> to vector<16xf32>
    %swap3A_497 = vector.shape_cast %exp3A_493 : vector<16xf32> to vector<16xf32>
    tpu.vector_store %arg11[%swap3A_494], %swap3A_497 {strides = array<i32>} : memref<512xf32, #tpu.memory_space<vmem>>, vector<16xf32>,
    %get3A_498 = arith.constant 272 : index
    %get3A_499 = tpu.vector_load %arg9[%get3A_498] {strides = array<i32>} : memref<512xf32, #tpu.memory_space<vmem>>, vector<16xf32>,
    %get3A_500 = vector.shape_cast %get3A_499 : vector<16xf32> to vector<16xf32>
    %exp3A_501 = math.exp %get3A_500 : vector<16xf32>
    %get3A_502 = arith.constant 272 : index
    %get3A_503 = tpu.vector_load %arg8[%get3A_502] {strides = array<i32>} : memref<512xf32, #tpu.memory_space<vmem>>, vector<16xf32>,
    %get3A_504 = vector.shape_cast %get3A_503 : vector<16xf32> to vector<16xf32>
    %get3A_505 = arith.constant 272 : index
    %get3A_506 = tpu.vector_load %arg10[%get3A_505] {strides = array<i32>} : memref<512xf32, #tpu.memory_space<vmem>>, vector<16xf32>,
    %get3A_507 = vector.shape_cast %get3A_506 : vector<16xf32> to vector<16xf32>
    %mul3A_508 = arith.mulf %exp3A_501, %get3A_507 : vector<16xf32>
    %add3A_509 = arith.addf %get3A_504, %mul3A_508 : vector<16xf32>
    %mul3A_510 = arith.constant 2.30258512 : f32
    %mul3A_511 = vector.broadcast %mul3A_510 : f32 to vector<16xf32>
    %mul3A_512 = arith.mulf %add3A_509, %mul3A_511 : vector<16xf32>
    %exp3A_513 = math.exp %mul3A_512 : vector<16xf32>
    %swap3A_514 = arith.constant 272 : index
    %swap3A_515 = tpu.vector_load %arg11[%swap3A_514] {strides = array<i32>} : memref<512xf32, #tpu.memory_space<vmem>>, vector<16xf32>,
    %swap3A_516 = vector.shape_cast %swap3A_515 : vector<16xf32> to vector<16xf32>
    %swap3A_517 = vector.shape_cast %exp3A_513 : vector<16xf32> to vector<16xf32>
    tpu.vector_store %arg11[%swap3A_514], %swap3A_517 {strides = array<i32>} : memref<512xf32, #tpu.memory_space<vmem>>, vector<16xf32>,
    %get3A_518 = arith.constant 288 : index
    %get3A_519 = tpu.vector_load %arg9[%get3A_518] {strides = array<i32>} : memref<512xf32, #tpu.memory_space<vmem>>, vector<16xf32>,
    %get3A_520 = vector.shape_cast %get3A_519 : vector<16xf32> to vector<16xf32>
    %exp3A_521 = math.exp %get3A_520 : vector<16xf32>
    %get3A_522 = arith.constant 288 : index
    %get3A_523 = tpu.vector_load %arg8[%get3A_522] {strides = array<i32>} : memref<512xf32, #tpu.memory_space<vmem>>, vector<16xf32>,
    %get3A_524 = vector.shape_cast %get3A_523 : vector<16xf32> to vector<16xf32>
    %get3A_525 = arith.constant 288 : index
    %get3A_526 = tpu.vector_load %arg10[%get3A_525] {strides = array<i32>} : memref<512xf32, #tpu.memory_space<vmem>>, vector<16xf32>,
    %get3A_527 = vector.shape_cast %get3A_526 : vector<16xf32> to vector<16xf32>
    %mul3A_528 = arith.mulf %exp3A_521, %get3A_527 : vector<16xf32>
    %add3A_529 = arith.addf %get3A_524, %mul3A_528 : vector<16xf32>
    %mul3A_530 = arith.constant 2.30258512 : f32
    %mul3A_531 = vector.broadcast %mul3A_530 : f32 to vector<16xf32>
    %mul3A_532 = arith.mulf %add3A_529, %mul3A_531 : vector<16xf32>
    %exp3A_533 = math.exp %mul3A_532 : vector<16xf32>
    %swap3A_534 = arith.constant 288 : index
    %swap3A_535 = tpu.vector_load %arg11[%swap3A_534] {strides = array<i32>} : memref<512xf32, #tpu.memory_space<vmem>>, vector<16xf32>,
    %swap3A_536 = vector.shape_cast %swap3A_535 : vector<16xf32> to vector<16xf32>
    %swap3A_537 = vector.shape_cast %exp3A_533 : vector<16xf32> to vector<16xf32>
    tpu.vector_store %arg11[%swap3A_534], %swap3A_537 {strides = array<i32>} : memref<512xf32, #tpu.memory_space<vmem>>, vector<16xf32>,
    %get3A_538 = arith.constant 304 : index
    %get3A_539 = tpu.vector_load %arg9[%get3A_538] {strides = array<i32>} : memref<512xf32, #tpu.memory_space<vmem>>, vector<16xf32>,
    %get3A_540 = vector.shape_cast %get3A_539 : vector<16xf32> to vector<16xf32>
    %exp3A_541 = math.exp %get3A_540 : vector<16xf32>
    %get3A_542 = arith.constant 304 : index
    %get3A_543 = tpu.vector_load %arg8[%get3A_542] {strides = array<i32>} : memref<512xf32, #tpu.memory_space<vmem>>, vector<16xf32>,
    %get3A_544 = vector.shape_cast %get3A_543 : vector<16xf32> to vector<16xf32>
    %get3A_545 = arith.constant 304 : index
    %get3A_546 = tpu.vector_load %arg10[%get3A_545] {strides = array<i32>} : memref<512xf32, #tpu.memory_space<vmem>>, vector<16xf32>,
    %get3A_547 = vector.shape_cast %get3A_546 : vector<16xf32> to vector<16xf32>
    %mul3A_548 = arith.mulf %exp3A_541, %get3A_547 : vector<16xf32>
    %add3A_549 = arith.addf %get3A_544, %mul3A_548 : vector<16xf32>
    %mul3A_550 = arith.constant 2.30258512 : f32
    %mul3A_551 = vector.broadcast %mul3A_550 : f32 to vector<16xf32>
    %mul3A_552 = arith.mulf %add3A_549, %mul3A_551 : vector<16xf32>
    %exp3A_553 = math.exp %mul3A_552 : vector<16xf32>
    %swap3A_554 = arith.constant 304 : index
    %swap3A_555 = tpu.vector_load %arg11[%swap3A_554] {strides = array<i32>} : memref<512xf32, #tpu.memory_space<vmem>>, vector<16xf32>,
    %swap3A_556 = vector.shape_cast %swap3A_555 : vector<16xf32> to vector<16xf32>
    %swap3A_557 = vector.shape_cast %exp3A_553 : vector<16xf32> to vector<16xf32>
    tpu.vector_store %arg11[%swap3A_554], %swap3A_557 {strides = array<i32>} : memref<512xf32, #tpu.memory_space<vmem>>, vector<16xf32>,
    %get3A_558 = arith.constant 320 : index
    %get3A_559 = tpu.vector_load %arg9[%get3A_558] {strides = array<i32>} : memref<512xf32, #tpu.memory_space<vmem>>, vector<16xf32>,
    %get3A_560 = vector.shape_cast %get3A_559 : vector<16xf32> to vector<16xf32>
    %exp3A_561 = math.exp %get3A_560 : vector<16xf32>
    %get3A_562 = arith.constant 320 : index
    %get3A_563 = tpu.vector_load %arg8[%get3A_562] {strides = array<i32>} : memref<512xf32, #tpu.memory_space<vmem>>, vector<16xf32>,
    %get3A_564 = vector.shape_cast %get3A_563 : vector<16xf32> to vector<16xf32>
    %get3A_565 = arith.constant 320 : index
    %get3A_566 = tpu.vector_load %arg10[%get3A_565] {strides = array<i32>} : memref<512xf32, #tpu.memory_space<vmem>>, vector<16xf32>,
    %get3A_567 = vector.shape_cast %get3A_566 : vector<16xf32> to vector<16xf32>
    %mul3A_568 = arith.mulf %exp3A_561, %get3A_567 : vector<16xf32>
    %add3A_569 = arith.addf %get3A_564, %mul3A_568 : vector<16xf32>
    %mul3A_570 = arith.constant 2.30258512 : f32
    %mul3A_571 = vector.broadcast %mul3A_570 : f32 to vector<16xf32>
    %mul3A_572 = arith.mulf %add3A_569, %mul3A_571 : vector<16xf32>
    %exp3A_573 = math.exp %mul3A_572 : vector<16xf32>
    %swap3A_574 = arith.constant 320 : index
    %swap3A_575 = tpu.vector_load %arg11[%swap3A_574] {strides = array<i32>} : memref<512xf32, #tpu.memory_space<vmem>>, vector<16xf32>,
    %swap3A_576 = vector.shape_cast %swap3A_575 : vector<16xf32> to vector<16xf32>
    %swap3A_577 = vector.shape_cast %exp3A_573 : vector<16xf32> to vector<16xf32>
    tpu.vector_store %arg11[%swap3A_574], %swap3A_577 {strides = array<i32>} : memref<512xf32, #tpu.memory_space<vmem>>, vector<16xf32>,
    %get3A_578 = arith.constant 336 : index
    %get3A_579 = tpu.vector_load %arg9[%get3A_578] {strides = array<i32>} : memref<512xf32, #tpu.memory_space<vmem>>, vector<16xf32>,
    %get3A_580 = vector.shape_cast %get3A_579 : vector<16xf32> to vector<16xf32>
    %exp3A_581 = math.exp %get3A_580 : vector<16xf32>
    %get3A_582 = arith.constant 336 : index
    %get3A_583 = tpu.vector_load %arg8[%get3A_582] {strides = array<i32>} : memref<512xf32, #tpu.memory_space<vmem>>, vector<16xf32>,
    %get3A_584 = vector.shape_cast %get3A_583 : vector<16xf32> to vector<16xf32>
    %get3A_585 = arith.constant 336 : index
    %get3A_586 = tpu.vector_load %arg10[%get3A_585] {strides = array<i32>} : memref<512xf32, #tpu.memory_space<vmem>>, vector<16xf32>,
    %get3A_587 = vector.shape_cast %get3A_586 : vector<16xf32> to vector<16xf32>
    %mul3A_588 = arith.mulf %exp3A_581, %get3A_587 : vector<16xf32>
    %add3A_589 = arith.addf %get3A_584, %mul3A_588 : vector<16xf32>
    %mul3A_590 = arith.constant 2.30258512 : f32
    %mul3A_591 = vector.broadcast %mul3A_590 : f32 to vector<16xf32>
    %mul3A_592 = arith.mulf %add3A_589, %mul3A_591 : vector<16xf32>
    %exp3A_593 = math.exp %mul3A_592 : vector<16xf32>
    %swap3A_594 = arith.constant 336 : index
    %swap3A_595 = tpu.vector_load %arg11[%swap3A_594] {strides = array<i32>} : memref<512xf32, #tpu.memory_space<vmem>>, vector<16xf32>,
    %swap3A_596 = vector.shape_cast %swap3A_595 : vector<16xf32> to vector<16xf32>
    %swap3A_597 = vector.shape_cast %exp3A_593 : vector<16xf32> to vector<16xf32>
    tpu.vector_store %arg11[%swap3A_594], %swap3A_597 {strides = array<i32>} : memref<512xf32, #tpu.memory_space<vmem>>, vector<16xf32>,
    %get3A_598 = arith.constant 352 : index
    %get3A_599 = tpu.vector_load %arg9[%get3A_598] {strides = array<i32>} : memref<512xf32, #tpu.memory_space<vmem>>, vector<16xf32>,
    %get3A_600 = vector.shape_cast %get3A_599 : vector<16xf32> to vector<16xf32>
    %exp3A_601 = math.exp %get3A_600 : vector<16xf32>
    %get3A_602 = arith.constant 352 : index
    %get3A_603 = tpu.vector_load %arg8[%get3A_602] {strides = array<i32>} : memref<512xf32, #tpu.memory_space<vmem>>, vector<16xf32>,
    %get3A_604 = vector.shape_cast %get3A_603 : vector<16xf32> to vector<16xf32>
    %get3A_605 = arith.constant 352 : index
    %get3A_606 = tpu.vector_load %arg10[%get3A_605] {strides = array<i32>} : memref<512xf32, #tpu.memory_space<vmem>>, vector<16xf32>,
    %get3A_607 = vector.shape_cast %get3A_606 : vector<16xf32> to vector<16xf32>
    %mul3A_608 = arith.mulf %exp3A_601, %get3A_607 : vector<16xf32>
    %add3A_609 = arith.addf %get3A_604, %mul3A_608 : vector<16xf32>
    %mul3A_610 = arith.constant 2.30258512 : f32
    %mul3A_611 = vector.broadcast %mul3A_610 : f32 to vector<16xf32>
    %mul3A_612 = arith.mulf %add3A_609, %mul3A_611 : vector<16xf32>
    %exp3A_613 = math.exp %mul3A_612 : vector<16xf32>
    %swap3A_614 = arith.constant 352 : index
    %swap3A_615 = tpu.vector_load %arg11[%swap3A_614] {strides = array<i32>} : memref<512xf32, #tpu.memory_space<vmem>>, vector<16xf32>,
    %swap3A_616 = vector.shape_cast %swap3A_615 : vector<16xf32> to vector<16xf32>
    %swap3A_617 = vector.shape_cast %exp3A_613 : vector<16xf32> to vector<16xf32>
    tpu.vector_store %arg11[%swap3A_614], %swap3A_617 {strides = array<i32>} : memref<512xf32, #tpu.memory_space<vmem>>, vector<16xf32>,
    %get3A_618 = arith.constant 368 : index
    %get3A_619 = tpu.vector_load %arg9[%get3A_618] {strides = array<i32>} : memref<512xf32, #tpu.memory_space<vmem>>, vector<16xf32>,
    %get3A_620 = vector.shape_cast %get3A_619 : vector<16xf32> to vector<16xf32>
    %exp3A_621 = math.exp %get3A_620 : vector<16xf32>
    %get3A_622 = arith.constant 368 : index
    %get3A_623 = tpu.vector_load %arg8[%get3A_622] {strides = array<i32>} : memref<512xf32, #tpu.memory_space<vmem>>, vector<16xf32>,
    %get3A_624 = vector.shape_cast %get3A_623 : vector<16xf32> to vector<16xf32>
    %get3A_625 = arith.constant 368 : index
    %get3A_626 = tpu.vector_load %arg10[%get3A_625] {strides = array<i32>} : memref<512xf32, #tpu.memory_space<vmem>>, vector<16xf32>,
    %get3A_627 = vector.shape_cast %get3A_626 : vector<16xf32> to vector<16xf32>
    %mul3A_628 = arith.mulf %exp3A_621, %get3A_627 : vector<16xf32>
    %add3A_629 = arith.addf %get3A_624, %mul3A_628 : vector<16xf32>
    %mul3A_630 = arith.constant 2.30258512 : f32
    %mul3A_631 = vector.broadcast %mul3A_630 : f32 to vector<16xf32>
    %mul3A_632 = arith.mulf %add3A_629, %mul3A_631 : vector<16xf32>
    %exp3A_633 = math.exp %mul3A_632 : vector<16xf32>
    %swap3A_634 = arith.constant 368 : index
    %swap3A_635 = tpu.vector_load %arg11[%swap3A_634] {strides = array<i32>} : memref<512xf32, #tpu.memory_space<vmem>>, vector<16xf32>,
    %swap3A_636 = vector.shape_cast %swap3A_635 : vector<16xf32> to vector<16xf32>
    %swap3A_637 = vector.shape_cast %exp3A_633 : vector<16xf32> to vector<16xf32>
    tpu.vector_store %arg11[%swap3A_634], %swap3A_637 {strides = array<i32>} : memref<512xf32, #tpu.memory_space<vmem>>, vector<16xf32>,
    %add3A_638 = arith.constant 256 : i32
    %add3A_639 = arith.addi %mul3A_2, %add3A_638 : i32
    %dma_start3A_640 = arith.constant 256 : i32
    %dma_start3A_641 = tpu.memref_slice %arg11[%dma_start3A_640] : memref<512xf32, #tpu.memory_space<vmem>> -> memref<128xf32, #tpu.memory_space<vmem>>
    %dma_start3A_642 = tpu.memref_slice %arg6[%add3A_639] : memref<16384xf32, #tpu.memory_space<hbm>> -> memref<128xf32, #tpu.memory_space<hbm>>
    %dma_start3A_643 = tpu.memref_slice %arg6[%add3A_639] : memref<16384xf32, #tpu.memory_space<hbm>> -> memref<128xf32, #tpu.memory_space<hbm>>
    %dma_start3A_644 = arith.constant 256 : i32
    %dma_start3A_645 = tpu.memref_slice %arg11[%dma_start3A_644] : memref<512xf32, #tpu.memory_space<vmem>> -> memref<128xf32, #tpu.memory_space<vmem>>
    tpu.enqueue_dma source(%dma_start3A_645 : memref<128xf32, #tpu.memory_space<vmem>>) target(%dma_start3A_643 : memref<128xf32, #tpu.memory_space<hbm>>) target_semaphore(%arg15 : memref<!tpu.dma_semaphore, #tpu.memory_space<semaphore_mem>>)
    %dma_wait3A_646 = arith.constant 384 : i32
    %dma_wait3A_647 = tpu.memref_slice %arg8[%dma_wait3A_646] : memref<512xf32, #tpu.memory_space<vmem>> -> memref<128xf32, #tpu.memory_space<vmem>>
    %dma_wait3A_648 = arith.constant 384 : i32
    %dma_wait3A_649 = tpu.memref_slice %arg7[%dma_wait3A_648] : memref<512xi32, #tpu.memory_space<vmem>> -> memref<128xi32, #tpu.memory_space<vmem>>
    %dma_wait3A_650 = arith.constant 0 : i32
    %dma_wait3A_651 = tpu.memref_slice %arg3[%dma_wait3A_650] : memref<1000000xf32, #tpu.memory_space<hbm>> -> memref<1000000xf32, #tpu.memory_space<hbm>>
    tpu.wait_indirect_dma semaphore(%arg13 : memref<!tpu.dma_semaphore, #tpu.memory_space<semaphore_mem>>) src(%dma_wait3A_651 : memref<1000000xf32, #tpu.memory_space<hbm>>) dst(%dma_wait3A_647 : memref<128xf32, #tpu.memory_space<vmem>>)
    %dma_wait3A_652 = arith.constant 384 : i32
    %dma_wait3A_653 = tpu.memref_slice %arg9[%dma_wait3A_652] : memref<512xf32, #tpu.memory_space<vmem>> -> memref<128xf32, #tpu.memory_space<vmem>>
    %dma_wait3A_654 = arith.constant 384 : i32
    %dma_wait3A_655 = tpu.memref_slice %arg7[%dma_wait3A_654] : memref<512xi32, #tpu.memory_space<vmem>> -> memref<128xi32, #tpu.memory_space<vmem>>
    %dma_wait3A_656 = arith.constant 0 : i32
    %dma_wait3A_657 = tpu.memref_slice %arg4[%dma_wait3A_656] : memref<1000000xf32, #tpu.memory_space<hbm>> -> memref<1000000xf32, #tpu.memory_space<hbm>>
    tpu.wait_indirect_dma semaphore(%arg13 : memref<!tpu.dma_semaphore, #tpu.memory_space<semaphore_mem>>) src(%dma_wait3A_657 : memref<1000000xf32, #tpu.memory_space<hbm>>) dst(%dma_wait3A_653 : memref<128xf32, #tpu.memory_space<vmem>>)
    %get3A_658 = arith.constant 384 : index
    %get3A_659 = tpu.vector_load %arg9[%get3A_658] {strides = array<i32>} : memref<512xf32, #tpu.memory_space<vmem>>, vector<16xf32>,
    %get3A_660 = vector.shape_cast %get3A_659 : vector<16xf32> to vector<16xf32>
    %exp3A_661 = math.exp %get3A_660 : vector<16xf32>
    %get3A_662 = arith.constant 384 : index
    %get3A_663 = tpu.vector_load %arg8[%get3A_662] {strides = array<i32>} : memref<512xf32, #tpu.memory_space<vmem>>, vector<16xf32>,
    %get3A_664 = vector.shape_cast %get3A_663 : vector<16xf32> to vector<16xf32>
    %get3A_665 = arith.constant 384 : index
    %get3A_666 = tpu.vector_load %arg10[%get3A_665] {strides = array<i32>} : memref<512xf32, #tpu.memory_space<vmem>>, vector<16xf32>,
    %get3A_667 = vector.shape_cast %get3A_666 : vector<16xf32> to vector<16xf32>
    %mul3A_668 = arith.mulf %exp3A_661, %get3A_667 : vector<16xf32>
    %add3A_669 = arith.addf %get3A_664, %mul3A_668 : vector<16xf32>
    %mul3A_670 = arith.constant 2.30258512 : f32
    %mul3A_671 = vector.broadcast %mul3A_670 : f32 to vector<16xf32>
    %mul3A_672 = arith.mulf %add3A_669, %mul3A_671 : vector<16xf32>
    %exp3A_673 = math.exp %mul3A_672 : vector<16xf32>
    %swap3A_674 = arith.constant 384 : index
    %swap3A_675 = tpu.vector_load %arg11[%swap3A_674] {strides = array<i32>} : memref<512xf32, #tpu.memory_space<vmem>>, vector<16xf32>,
    %swap3A_676 = vector.shape_cast %swap3A_675 : vector<16xf32> to vector<16xf32>
    %swap3A_677 = vector.shape_cast %exp3A_673 : vector<16xf32> to vector<16xf32>
    tpu.vector_store %arg11[%swap3A_674], %swap3A_677 {strides = array<i32>} : memref<512xf32, #tpu.memory_space<vmem>>, vector<16xf32>,
    %get3A_678 = arith.constant 400 : index
    %get3A_679 = tpu.vector_load %arg9[%get3A_678] {strides = array<i32>} : memref<512xf32, #tpu.memory_space<vmem>>, vector<16xf32>,
    %get3A_680 = vector.shape_cast %get3A_679 : vector<16xf32> to vector<16xf32>
    %exp3A_681 = math.exp %get3A_680 : vector<16xf32>
    %get3A_682 = arith.constant 400 : index
    %get3A_683 = tpu.vector_load %arg8[%get3A_682] {strides = array<i32>} : memref<512xf32, #tpu.memory_space<vmem>>, vector<16xf32>,
    %get3A_684 = vector.shape_cast %get3A_683 : vector<16xf32> to vector<16xf32>
    %get3A_685 = arith.constant 400 : index
    %get3A_686 = tpu.vector_load %arg10[%get3A_685] {strides = array<i32>} : memref<512xf32, #tpu.memory_space<vmem>>, vector<16xf32>,
    %get3A_687 = vector.shape_cast %get3A_686 : vector<16xf32> to vector<16xf32>
    %mul3A_688 = arith.mulf %exp3A_681, %get3A_687 : vector<16xf32>
    %add3A_689 = arith.addf %get3A_684, %mul3A_688 : vector<16xf32>
    %mul3A_690 = arith.constant 2.30258512 : f32
    %mul3A_691 = vector.broadcast %mul3A_690 : f32 to vector<16xf32>
    %mul3A_692 = arith.mulf %add3A_689, %mul3A_691 : vector<16xf32>
    %exp3A_693 = math.exp %mul3A_692 : vector<16xf32>
    %swap3A_694 = arith.constant 400 : index
    %swap3A_695 = tpu.vector_load %arg11[%swap3A_694] {strides = array<i32>} : memref<512xf32, #tpu.memory_space<vmem>>, vector<16xf32>,
    %swap3A_696 = vector.shape_cast %swap3A_695 : vector<16xf32> to vector<16xf32>
    %swap3A_697 = vector.shape_cast %exp3A_693 : vector<16xf32> to vector<16xf32>
    tpu.vector_store %arg11[%swap3A_694], %swap3A_697 {strides = array<i32>} : memref<512xf32, #tpu.memory_space<vmem>>, vector<16xf32>,
    %get3A_698 = arith.constant 416 : index
    %get3A_699 = tpu.vector_load %arg9[%get3A_698] {strides = array<i32>} : memref<512xf32, #tpu.memory_space<vmem>>, vector<16xf32>,
    %get3A_700 = vector.shape_cast %get3A_699 : vector<16xf32> to vector<16xf32>
    %exp3A_701 = math.exp %get3A_700 : vector<16xf32>
    %get3A_702 = arith.constant 416 : index
    %get3A_703 = tpu.vector_load %arg8[%get3A_702] {strides = array<i32>} : memref<512xf32, #tpu.memory_space<vmem>>, vector<16xf32>,
    %get3A_704 = vector.shape_cast %get3A_703 : vector<16xf32> to vector<16xf32>
    %get3A_705 = arith.constant 416 : index
    %get3A_706 = tpu.vector_load %arg10[%get3A_705] {strides = array<i32>} : memref<512xf32, #tpu.memory_space<vmem>>, vector<16xf32>,
    %get3A_707 = vector.shape_cast %get3A_706 : vector<16xf32> to vector<16xf32>
    %mul3A_708 = arith.mulf %exp3A_701, %get3A_707 : vector<16xf32>
    %add3A_709 = arith.addf %get3A_704, %mul3A_708 : vector<16xf32>
    %mul3A_710 = arith.constant 2.30258512 : f32
    %mul3A_711 = vector.broadcast %mul3A_710 : f32 to vector<16xf32>
    %mul3A_712 = arith.mulf %add3A_709, %mul3A_711 : vector<16xf32>
    %exp3A_713 = math.exp %mul3A_712 : vector<16xf32>
    %swap3A_714 = arith.constant 416 : index
    %swap3A_715 = tpu.vector_load %arg11[%swap3A_714] {strides = array<i32>} : memref<512xf32, #tpu.memory_space<vmem>>, vector<16xf32>,
    %swap3A_716 = vector.shape_cast %swap3A_715 : vector<16xf32> to vector<16xf32>
    %swap3A_717 = vector.shape_cast %exp3A_713 : vector<16xf32> to vector<16xf32>
    tpu.vector_store %arg11[%swap3A_714], %swap3A_717 {strides = array<i32>} : memref<512xf32, #tpu.memory_space<vmem>>, vector<16xf32>,
    %get3A_718 = arith.constant 432 : index
    %get3A_719 = tpu.vector_load %arg9[%get3A_718] {strides = array<i32>} : memref<512xf32, #tpu.memory_space<vmem>>, vector<16xf32>,
    %get3A_720 = vector.shape_cast %get3A_719 : vector<16xf32> to vector<16xf32>
    %exp3A_721 = math.exp %get3A_720 : vector<16xf32>
    %get3A_722 = arith.constant 432 : index
    %get3A_723 = tpu.vector_load %arg8[%get3A_722] {strides = array<i32>} : memref<512xf32, #tpu.memory_space<vmem>>, vector<16xf32>,
    %get3A_724 = vector.shape_cast %get3A_723 : vector<16xf32> to vector<16xf32>
    %get3A_725 = arith.constant 432 : index
    %get3A_726 = tpu.vector_load %arg10[%get3A_725] {strides = array<i32>} : memref<512xf32, #tpu.memory_space<vmem>>, vector<16xf32>,
    %get3A_727 = vector.shape_cast %get3A_726 : vector<16xf32> to vector<16xf32>
    %mul3A_728 = arith.mulf %exp3A_721, %get3A_727 : vector<16xf32>
    %add3A_729 = arith.addf %get3A_724, %mul3A_728 : vector<16xf32>
    %mul3A_730 = arith.constant 2.30258512 : f32
    %mul3A_731 = vector.broadcast %mul3A_730 : f32 to vector<16xf32>
    %mul3A_732 = arith.mulf %add3A_729, %mul3A_731 : vector<16xf32>
    %exp3A_733 = math.exp %mul3A_732 : vector<16xf32>
    %swap3A_734 = arith.constant 432 : index
    %swap3A_735 = tpu.vector_load %arg11[%swap3A_734] {strides = array<i32>} : memref<512xf32, #tpu.memory_space<vmem>>, vector<16xf32>,
    %swap3A_736 = vector.shape_cast %swap3A_735 : vector<16xf32> to vector<16xf32>
    %swap3A_737 = vector.shape_cast %exp3A_733 : vector<16xf32> to vector<16xf32>
    tpu.vector_store %arg11[%swap3A_734], %swap3A_737 {strides = array<i32>} : memref<512xf32, #tpu.memory_space<vmem>>, vector<16xf32>,
    %get3A_738 = arith.constant 448 : index
    %get3A_739 = tpu.vector_load %arg9[%get3A_738] {strides = array<i32>} : memref<512xf32, #tpu.memory_space<vmem>>, vector<16xf32>,
    %get3A_740 = vector.shape_cast %get3A_739 : vector<16xf32> to vector<16xf32>
    %exp3A_741 = math.exp %get3A_740 : vector<16xf32>
    %get3A_742 = arith.constant 448 : index
    %get3A_743 = tpu.vector_load %arg8[%get3A_742] {strides = array<i32>} : memref<512xf32, #tpu.memory_space<vmem>>, vector<16xf32>,
    %get3A_744 = vector.shape_cast %get3A_743 : vector<16xf32> to vector<16xf32>
    %get3A_745 = arith.constant 448 : index
    %get3A_746 = tpu.vector_load %arg10[%get3A_745] {strides = array<i32>} : memref<512xf32, #tpu.memory_space<vmem>>, vector<16xf32>,
    %get3A_747 = vector.shape_cast %get3A_746 : vector<16xf32> to vector<16xf32>
    %mul3A_748 = arith.mulf %exp3A_741, %get3A_747 : vector<16xf32>
    %add3A_749 = arith.addf %get3A_744, %mul3A_748 : vector<16xf32>
    %mul3A_750 = arith.constant 2.30258512 : f32
    %mul3A_751 = vector.broadcast %mul3A_750 : f32 to vector<16xf32>
    %mul3A_752 = arith.mulf %add3A_749, %mul3A_751 : vector<16xf32>
    %exp3A_753 = math.exp %mul3A_752 : vector<16xf32>
    %swap3A_754 = arith.constant 448 : index
    %swap3A_755 = tpu.vector_load %arg11[%swap3A_754] {strides = array<i32>} : memref<512xf32, #tpu.memory_space<vmem>>, vector<16xf32>,
    %swap3A_756 = vector.shape_cast %swap3A_755 : vector<16xf32> to vector<16xf32>
    %swap3A_757 = vector.shape_cast %exp3A_753 : vector<16xf32> to vector<16xf32>
    tpu.vector_store %arg11[%swap3A_754], %swap3A_757 {strides = array<i32>} : memref<512xf32, #tpu.memory_space<vmem>>, vector<16xf32>,
    %get3A_758 = arith.constant 464 : index
    %get3A_759 = tpu.vector_load %arg9[%get3A_758] {strides = array<i32>} : memref<512xf32, #tpu.memory_space<vmem>>, vector<16xf32>,
    %get3A_760 = vector.shape_cast %get3A_759 : vector<16xf32> to vector<16xf32>
    %exp3A_761 = math.exp %get3A_760 : vector<16xf32>
    %get3A_762 = arith.constant 464 : index
    %get3A_763 = tpu.vector_load %arg8[%get3A_762] {strides = array<i32>} : memref<512xf32, #tpu.memory_space<vmem>>, vector<16xf32>,
    %get3A_764 = vector.shape_cast %get3A_763 : vector<16xf32> to vector<16xf32>
    %get3A_765 = arith.constant 464 : index
    %get3A_766 = tpu.vector_load %arg10[%get3A_765] {strides = array<i32>} : memref<512xf32, #tpu.memory_space<vmem>>, vector<16xf32>,
    %get3A_767 = vector.shape_cast %get3A_766 : vector<16xf32> to vector<16xf32>
    %mul3A_768 = arith.mulf %exp3A_761, %get3A_767 : vector<16xf32>
    %add3A_769 = arith.addf %get3A_764, %mul3A_768 : vector<16xf32>
    %mul3A_770 = arith.constant 2.30258512 : f32
    %mul3A_771 = vector.broadcast %mul3A_770 : f32 to vector<16xf32>
    %mul3A_772 = arith.mulf %add3A_769, %mul3A_771 : vector<16xf32>
    %exp3A_773 = math.exp %mul3A_772 : vector<16xf32>
    %swap3A_774 = arith.constant 464 : index
    %swap3A_775 = tpu.vector_load %arg11[%swap3A_774] {strides = array<i32>} : memref<512xf32, #tpu.memory_space<vmem>>, vector<16xf32>,
    %swap3A_776 = vector.shape_cast %swap3A_775 : vector<16xf32> to vector<16xf32>
    %swap3A_777 = vector.shape_cast %exp3A_773 : vector<16xf32> to vector<16xf32>
    tpu.vector_store %arg11[%swap3A_774], %swap3A_777 {strides = array<i32>} : memref<512xf32, #tpu.memory_space<vmem>>, vector<16xf32>,
    %get3A_778 = arith.constant 480 : index
    %get3A_779 = tpu.vector_load %arg9[%get3A_778] {strides = array<i32>} : memref<512xf32, #tpu.memory_space<vmem>>, vector<16xf32>,
    %get3A_780 = vector.shape_cast %get3A_779 : vector<16xf32> to vector<16xf32>
    %exp3A_781 = math.exp %get3A_780 : vector<16xf32>
    %get3A_782 = arith.constant 480 : index
    %get3A_783 = tpu.vector_load %arg8[%get3A_782] {strides = array<i32>} : memref<512xf32, #tpu.memory_space<vmem>>, vector<16xf32>,
    %get3A_784 = vector.shape_cast %get3A_783 : vector<16xf32> to vector<16xf32>
    %get3A_785 = arith.constant 480 : index
    %get3A_786 = tpu.vector_load %arg10[%get3A_785] {strides = array<i32>} : memref<512xf32, #tpu.memory_space<vmem>>, vector<16xf32>,
    %get3A_787 = vector.shape_cast %get3A_786 : vector<16xf32> to vector<16xf32>
    %mul3A_788 = arith.mulf %exp3A_781, %get3A_787 : vector<16xf32>
    %add3A_789 = arith.addf %get3A_784, %mul3A_788 : vector<16xf32>
    %mul3A_790 = arith.constant 2.30258512 : f32
    %mul3A_791 = vector.broadcast %mul3A_790 : f32 to vector<16xf32>
    %mul3A_792 = arith.mulf %add3A_789, %mul3A_791 : vector<16xf32>
    %exp3A_793 = math.exp %mul3A_792 : vector<16xf32>
    %swap3A_794 = arith.constant 480 : index
    %swap3A_795 = tpu.vector_load %arg11[%swap3A_794] {strides = array<i32>} : memref<512xf32, #tpu.memory_space<vmem>>, vector<16xf32>,
    %swap3A_796 = vector.shape_cast %swap3A_795 : vector<16xf32> to vector<16xf32>
    %swap3A_797 = vector.shape_cast %exp3A_793 : vector<16xf32> to vector<16xf32>
    tpu.vector_store %arg11[%swap3A_794], %swap3A_797 {strides = array<i32>} : memref<512xf32, #tpu.memory_space<vmem>>, vector<16xf32>,
    %get3A_798 = arith.constant 496 : index
    %get3A_799 = tpu.vector_load %arg9[%get3A_798] {strides = array<i32>} : memref<512xf32, #tpu.memory_space<vmem>>, vector<16xf32>,
    %get3A_800 = vector.shape_cast %get3A_799 : vector<16xf32> to vector<16xf32>
    %exp3A_801 = math.exp %get3A_800 : vector<16xf32>
    %get3A_802 = arith.constant 496 : index
    %get3A_803 = tpu.vector_load %arg8[%get3A_802] {strides = array<i32>} : memref<512xf32, #tpu.memory_space<vmem>>, vector<16xf32>,
    %get3A_804 = vector.shape_cast %get3A_803 : vector<16xf32> to vector<16xf32>
    %get3A_805 = arith.constant 496 : index
    %get3A_806 = tpu.vector_load %arg10[%get3A_805] {strides = array<i32>} : memref<512xf32, #tpu.memory_space<vmem>>, vector<16xf32>,
    %get3A_807 = vector.shape_cast %get3A_806 : vector<16xf32> to vector<16xf32>
    %mul3A_808 = arith.mulf %exp3A_801, %get3A_807 : vector<16xf32>
    %add3A_809 = arith.addf %get3A_804, %mul3A_808 : vector<16xf32>
    %mul3A_810 = arith.constant 2.30258512 : f32
    %mul3A_811 = vector.broadcast %mul3A_810 : f32 to vector<16xf32>
    %mul3A_812 = arith.mulf %add3A_809, %mul3A_811 : vector<16xf32>
    %exp3A_813 = math.exp %mul3A_812 : vector<16xf32>
    %swap3A_814 = arith.constant 496 : index
    %swap3A_815 = tpu.vector_load %arg11[%swap3A_814] {strides = array<i32>} : memref<512xf32, #tpu.memory_space<vmem>>, vector<16xf32>,
    %swap3A_816 = vector.shape_cast %swap3A_815 : vector<16xf32> to vector<16xf32>
    %swap3A_817 = vector.shape_cast %exp3A_813 : vector<16xf32> to vector<16xf32>
    tpu.vector_store %arg11[%swap3A_814], %swap3A_817 {strides = array<i32>} : memref<512xf32, #tpu.memory_space<vmem>>, vector<16xf32>,
    %add3A_818 = arith.constant 384 : i32
    %add3A_819 = arith.addi %mul3A_2, %add3A_818 : i32
    %dma_start3A_820 = arith.constant 384 : i32
    %dma_start3A_821 = tpu.memref_slice %arg11[%dma_start3A_820] : memref<512xf32, #tpu.memory_space<vmem>> -> memref<128xf32, #tpu.memory_space<vmem>>
    %dma_start3A_822 = tpu.memref_slice %arg6[%add3A_819] : memref<16384xf32, #tpu.memory_space<hbm>> -> memref<128xf32, #tpu.memory_space<hbm>>
    %dma_start3A_823 = tpu.memref_slice %arg6[%add3A_819] : memref<16384xf32, #tpu.memory_space<hbm>> -> memref<128xf32, #tpu.memory_space<hbm>>
    %dma_start3A_824 = arith.constant 384 : i32
    %dma_start3A_825 = tpu.memref_slice %arg11[%dma_start3A_824] : memref<512xf32, #tpu.memory_space<vmem>> -> memref<128xf32, #tpu.memory_space<vmem>>
    tpu.enqueue_dma source(%dma_start3A_825 : memref<128xf32, #tpu.memory_space<vmem>>) target(%dma_start3A_823 : memref<128xf32, #tpu.memory_space<hbm>>) target_semaphore(%arg15 : memref<!tpu.dma_semaphore, #tpu.memory_space<semaphore_mem>>)
    %dma_wait3A_826 = arith.constant 0 : i32
    %dma_wait3A_827 = tpu.memref_slice %arg11[%dma_wait3A_826] : memref<512xf32, #tpu.memory_space<vmem>> -> memref<128xf32, #tpu.memory_space<vmem>>
    %dma_wait3A_828 = tpu.memref_slice %arg6[%add3A_279] : memref<16384xf32, #tpu.memory_space<hbm>> -> memref<128xf32, #tpu.memory_space<hbm>>
    %dma_wait3A_829 = tpu.memref_slice %arg6[%add3A_279] : memref<16384xf32, #tpu.memory_space<hbm>> -> memref<128xf32, #tpu.memory_space<hbm>>
    %dma_wait3A_830 = arith.constant 0 : i32
    %dma_wait3A_831 = tpu.memref_slice %arg11[%dma_wait3A_830] : memref<512xf32, #tpu.memory_space<vmem>> -> memref<128xf32, #tpu.memory_space<vmem>>
    tpu.wait_dma2 semaphore(%arg15 : memref<!tpu.dma_semaphore, #tpu.memory_space<semaphore_mem>>) src(%dma_wait3A_831 : memref<128xf32, #tpu.memory_space<vmem>>) dst(%dma_wait3A_829 : memref<128xf32, #tpu.memory_space<hbm>>)
    %dma_wait3A_832 = arith.constant 128 : i32
    %dma_wait3A_833 = tpu.memref_slice %arg11[%dma_wait3A_832] : memref<512xf32, #tpu.memory_space<vmem>> -> memref<128xf32, #tpu.memory_space<vmem>>
    %dma_wait3A_834 = tpu.memref_slice %arg6[%add3A_459] : memref<16384xf32, #tpu.memory_space<hbm>> -> memref<128xf32, #tpu.memory_space<hbm>>
    %dma_wait3A_835 = tpu.memref_slice %arg6[%add3A_459] : memref<16384xf32, #tpu.memory_space<hbm>> -> memref<128xf32, #tpu.memory_space<hbm>>
    %dma_wait3A_836 = arith.constant 128 : i32
    %dma_wait3A_837 = tpu.memref_slice %arg11[%dma_wait3A_836] : memref<512xf32, #tpu.memory_space<vmem>> -> memref<128xf32, #tpu.memory_space<vmem>>
    tpu.wait_dma2 semaphore(%arg15 : memref<!tpu.dma_semaphore, #tpu.memory_space<semaphore_mem>>) src(%dma_wait3A_837 : memref<128xf32, #tpu.memory_space<vmem>>) dst(%dma_wait3A_835 : memref<128xf32, #tpu.memory_space<hbm>>)
    %dma_wait3A_838 = arith.constant 256 : i32
    %dma_wait3A_839 = tpu.memref_slice %arg11[%dma_wait3A_838] : memref<512xf32, #tpu.memory_space<vmem>> -> memref<128xf32, #tpu.memory_space<vmem>>
    %dma_wait3A_840 = tpu.memref_slice %arg6[%add3A_639] : memref<16384xf32, #tpu.memory_space<hbm>> -> memref<128xf32, #tpu.memory_space<hbm>>
    %dma_wait3A_841 = tpu.memref_slice %arg6[%add3A_639] : memref<16384xf32, #tpu.memory_space<hbm>> -> memref<128xf32, #tpu.memory_space<hbm>>
    %dma_wait3A_842 = arith.constant 256 : i32
    %dma_wait3A_843 = tpu.memref_slice %arg11[%dma_wait3A_842] : memref<512xf32, #tpu.memory_space<vmem>> -> memref<128xf32, #tpu.memory_space<vmem>>
    tpu.wait_dma2 semaphore(%arg15 : memref<!tpu.dma_semaphore, #tpu.memory_space<semaphore_mem>>) src(%dma_wait3A_843 : memref<128xf32, #tpu.memory_space<vmem>>) dst(%dma_wait3A_841 : memref<128xf32, #tpu.memory_space<hbm>>)
    %dma_wait3A_844 = arith.constant 384 : i32
    %dma_wait3A_845 = tpu.memref_slice %arg11[%dma_wait3A_844] : memref<512xf32, #tpu.memory_space<vmem>> -> memref<128xf32, #tpu.memory_space<vmem>>
    %dma_wait3A_846 = tpu.memref_slice %arg6[%add3A_819] : memref<16384xf32, #tpu.memory_space<hbm>> -> memref<128xf32, #tpu.memory_space<hbm>>
    %dma_wait3A_847 = tpu.memref_slice %arg6[%add3A_819] : memref<16384xf32, #tpu.memory_space<hbm>> -> memref<128xf32, #tpu.memory_space<hbm>>
    %dma_wait3A_848 = arith.constant 384 : i32
    %dma_wait3A_849 = tpu.memref_slice %arg11[%dma_wait3A_848] : memref<512xf32, #tpu.memory_space<vmem>> -> memref<128xf32, #tpu.memory_space<vmem>>
    tpu.wait_dma2 semaphore(%arg15 : memref<!tpu.dma_semaphore, #tpu.memory_space<semaphore_mem>>) src(%dma_wait3A_849 : memref<128xf32, #tpu.memory_space<vmem>>) dst(%dma_wait3A_847 : memref<128xf32, #tpu.memory_space<hbm>>)
    return
  }
}

</mosaic_0001>

<sc_bundles>
// kernel: kernel.3.cloned.1.call-start
scs
__scs_entry_jumppad:
0x0: {  	(pc) =	sbr.rel $0x88, $3  }
0x1: {  	(tag) =	ssettag $0x0;
	lr =	simm.s32 $0x1  }
0x2: {  	[smem:$0x3F9D] =	sst lr;
	_ =	strace $0xD0000000  }
0x3: {  	_ = 	snop  }
0x4: {  	_ = 	snop  }
0x5: {  	_ = 	snop  }
0x6: {  	_ = 	snop  }
0x7: {  	_ = 	snop  }
__scs_overlays_trampoline_lowered:
0x8: {  	[smem:$0x3FAC] =	sst s0  }
0x9: {  	[smem:$0x3FAD] =	sst s1  }
0xa: {  	[smem:$0x3FAE] =	sst s2  }
0xb: {  	[smem:$0x3FAF] =	sst s3  }
0xc: {  	[smem:$0x3FB0] =	sst s4  }
0xd: {  	[smem:$0x3FB1] =	sst s5  }
0xe: {  	[smem:$0x3FB2] =	sst s6  }
0xf: {  	[smem:$0x3FB3] =	sst s7  }
0x10: {  	[smem:$0x3FB4] =	sst s8  }
0x11: {  	[smem:$0x3FB5] =	sst s9;
	s0 =	simm.s32 @!p0 $0x0  }
0x12: {  	s1 =	sld [smem:$0x3F9B];
	s0 =	simm.s32 @p0 $0x1  }
0x13: {  	[smem:$0x3FB6] =	sst s0;
	s0 =	simm.s32 @!p1 $0x0  }
0x14: {  	s2 =	sld [smem:$0x3F9A];
	s0 =	simm.s32 @p1 $0x1  }
0x15: {  	[smem:$0x3FB7] =	sst s0;
	s0 =	simm.s32 @!p2 $0x0  }
0x16: {  	s3 =	sld [smem:$0x3FDB];
	s0 =	simm.s32 @p2 $0x1  }
0x17: {  	s4 =	simm.s32 $0x1BF5;
	[smem:$0x3FB9] =	sst s0  }
0x18: {  	s0 =	sld [smem:$0x3F9C];
	_ =	swait.ge [sflag:s4], $0x0  }
0x19: {  	s7 =	sld [smem:$0x3F9D]  }
0x1a: {  	s8 =	sadd.s32 $0xFFFFE003, lr  }
0x1b: {  	s9 =	sadd.s32 $0xFFFFFEF7, lr;
	s5 =	simm.s32 $0xFFFFFFFF;
	p2 =	slt.u32 s8, $0xFFFFF086  }
0x1c: {  	p1 =	slt.u32 s9, $0xF7A;
	s5 =	simm.s32 @!p2 $0x0  }
0x1d: {  	s5 =	simm.s32 @p1 $0x1;
	p0 =	seq.s32 s7, s2  }
0x1e: {  	s7 =	smul.u32 @!p0 $0xF7A, s2;
	p2 =	seq.s32 @!p0 s5, $0x0  }
0x1f: {  	s9 =	smul.u32 $0xF7A, s1;
	s8 =	simm.s32 @!p0 $0x1BF5;
	p2 =	por !p2, p0  }
0x20: {  	[sflag:s8] =	ssyncset.s32 @!p0 $0xFFFFF086;
	s6 =	sadd.s32 @!p0 s3, s7;
	s7 =	simm.s32 @!p0 $0x108  }
0x21: {  	s3 =	sadd.s32 s3, s9;
	s6 =	sadd.s32 @!p0 $0x88, s6;
	s7 =	simm.s32 @p2 $0x1082  }
0x22: {  	[simem:s7], [sflag:s8] =	dma.local @!p0 [hbm:s6], $0xF7A  }
0x23: {  	s9 =	sor.u32 $0xD0000000, s2;
	s6 =	simm.s32 $0x108;
	_ =	swait.ge @!p0 [sflag:s8], $0x0  }
0x24: {  	s3 =	sadd.s32 $0x88, s3;
	s6 =	simm.s32 @!p1 $0x1082;
	[sflag:s4] =	ssyncset.s32 $0xFFFFF086  }
0x25: {  	[simem:s6], [sflag:s4] =	dma.local [hbm:s3], $0xF7A  }
0x26: {  	[smem:$0x3F9D] =	sst s1;
	(tag) =	ssettag s2;
	_ =	strace s9  }
0x27: {  	s1 =	sld [smem:$0x3FAD]  }
0x28: {  	s2 =	sld [smem:$0x3FAE]  }
0x29: {  	s4 =	sld [smem:$0x3FB0]  }
0x2a: {  	p0 =	seq.s32 s5, $0x0;
	s5 =	sld [smem:$0x3FB1]  }
0x2b: {  	s6 =	sld [smem:$0x3FB2]  }
0x2c: {  	s7 =	sld [smem:$0x3FB3]  }
0x2d: {  	s3 =	simm.s32 $0x108;
	s8 =	sld [smem:$0x3FB4]  }
0x2e: {  	s3 =	simm.s32 @!p0 $0x1082;
	s9 =	sld [smem:$0x3FB5]  }
0x2f: {  	lr =	sadd.s32 s0, s3;
	s0 =	sld [smem:$0x3FAC]  }
0x30: {  	s3 =	sld [smem:$0x3FAF]  }
0x31: {  	[smem:$0x3FB8] =	sst s10  }
0x32: {  	s10 =	sld [smem:$0x3FB6];
	_ =	sdelay $0x3  }
0x33: {  	p0 =	seq.s32 s10, $0x1;
	s10 =	sld [smem:$0x3FB8];
	_ =	sdelay $0x3  }
0x34: {  	[smem:$0x3FB8] =	sst s10  }
0x35: {  	s10 =	sld [smem:$0x3FB7];
	_ =	sdelay $0x3  }
0x36: {  	p1 =	seq.s32 s10, $0x1;
	s10 =	sld [smem:$0x3FB8];
	_ =	sdelay $0x3  }
0x37: {  	[smem:$0x3FB8] =	sst s10  }
0x38: {  	s10 =	sld [smem:$0x3FB9]  }
0x39: {  	_ = 	snop;
	(pc) =	sbr.ind lr, $3  }
0x3a: {  	_ = 	snop  }
0x3b: {  	_ = 	snop  }
0x3c: {  	p2 =	seq.s32 s10, $0x1;
	s10 =	sld [smem:$0x3FB8]  }
0x3d: {  	_ =	shalt  }
0x3e: {  	_ =	shalt  }
0x3f: {  	_ =	shalt  }
0x40: {  	_ =	shalt  }
0x41: {  	_ =	shalt  }
0x42: {  	_ =	shalt  }
0x43: {  	_ =	shalt  }
0x44: {  	_ =	shalt  }
0x45: {  	_ =	shalt  }
0x46: {  	_ =	shalt  }
0x47: {  	_ =	shalt  }
0x48: {  	_ =	shalt  }
0x49: {  	_ =	shalt  }
0x4a: {  	_ =	shalt  }
0x4b: {  	_ =	shalt  }
0x4c: {  	_ =	shalt  }
0x4d: {  	_ =	shalt  }
0x4e: {  	_ =	shalt  }
0x4f: {  	_ =	shalt  }
0x50: {  	_ =	shalt  }
0x51: {  	_ =	shalt  }
0x52: {  	_ =	shalt  }
0x53: {  	_ =	shalt  }
0x54: {  	_ =	shalt  }
0x55: {  	_ =	shalt  }
0x56: {  	_ =	shalt  }
0x57: {  	_ =	shalt  }
0x58: {  	_ =	shalt  }
0x59: {  	_ =	shalt  }
0x5a: {  	_ =	shalt  }
0x5b: {  	_ =	shalt  }
0x5c: {  	_ =	shalt  }
0x5d: {  	_ =	shalt  }
0x5e: {  	_ =	shalt  }
0x5f: {  	_ =	shalt  }
0x60: {  	_ =	shalt  }
0x61: {  	_ =	shalt  }
0x62: {  	_ =	shalt  }
0x63: {  	_ =	shalt  }
0x64: {  	_ =	shalt  }
0x65: {  	_ =	shalt  }
0x66: {  	_ =	shalt  }
0x67: {  	_ =	shalt  }
0x68: {  	_ =	shalt  }
0x69: {  	_ =	shalt  }
0x6a: {  	_ =	shalt  }
0x6b: {  	_ =	shalt  }
0x6c: {  	_ =	shalt  }
0x6d: {  	_ =	shalt  }
0x6e: {  	_ =	shalt  }
0x6f: {  	_ =	shalt  }
0x70: {  	_ =	shalt  }
0x71: {  	_ =	shalt  }
0x72: {  	_ =	shalt  }
0x73: {  	_ =	shalt  }
0x74: {  	_ =	shalt  }
0x75: {  	_ =	shalt  }
0x76: {  	_ =	shalt  }
0x77: {  	_ =	shalt  }
0x78: {  	_ =	shalt  }
0x79: {  	_ =	shalt  }
0x7a: {  	_ =	shalt  }
0x7b: {  	_ =	shalt  }
0x7c: {  	_ =	shalt  }
0x7d: {  	_ =	shalt  }
0x7e: {  	_ =	shalt  }
0x7f: {  	_ =	shalt  }
0x80: {  	_ =	shalt  }
0x81: {  	_ =	shalt  }
0x82: {  	_ =	shalt  }
0x83: {  	_ =	shalt  }
0x84: {  	_ =	shalt  }
0x85: {  	_ =	shalt  }
0x86: {  	_ =	shalt  }
0x87: {  	_ =	shalt  }
.Lfunc_end0:
.L_simem_size_0:
called_computation_lowered:
.L_overlay_start_0:
0x88: {  	s2 =	sld [smem:$0x3FD9]  }
0x89: {  	s3 =	sld [smem:$0x3FFE];
	_ =	sdelay $0x1  }
0x8a: {  	s1 =	srdreg.scid  }
0x8b: {  	s0 =	sand.u32 $0x1, s1  }
0x8c: {  	s18 =	sshll.u32 s0, $0xA;
	s2 =	sadd.s32 s3, s2  }
0x8d: {  	s2 =	sadd.s32 s2, s18  }
0x8e: {  	[smem:$0x3FC4] =	sst s2  }
0x8f: {  	_ = 	snop  }
0x90: {  	s2 =	sld [smem:$0x3FC9]  }
0x91: {  	s19 =	sld [smem:$0x3FC8]  }
0x92: {  	s4 =	sld [smem:$0x3FC7]  }
0x93: {  	s5 =	sld [smem:$0x3FC6]  }
0x94: {  	s6 =	sld [smem:$0x3FD0];
	(tm) =	ssettm $0x1  }
0x95: {  	s7 =	sld [smem:$0x3FFB];
	_ =	sdelay $0x3  }
0x96: {  	_ =	strace s7  }
0x97: {  	s7 =	sld [smem:$0x3FFC];
	_ =	sdelay $0x3  }
0x98: {  	_ =	strace s7  }
0x99: {  	s7 =	sld [smem:$0x3FFD];
	_ =	sdelay $0x3  }
0x9a: {  	_ =	strace s7  }
0x9b: {  	_ =	strace $0x8FFFFFFF  }
0x9c: {  	s20 =	sld [smem:$0x3FDB];
	_ =	sdelay $0x1  }
0x9d: {  	s8 =	simm.s32 $_scs_section_size  }
0x9e: {  	s9 =	simm.s32 $_size__tile_overlayer_lowered;
	s10 =	simm.s32 $_tile_overlayer_lowered  }
0x9f: {  	s23 =	simm.s32 $0x1BFF;
	s22 =	sshll.u32 s10, $0x1;
	s7 =	sadd.s32 s8, s20  }
0xa0: {  	s11 =	simm.s32 $0x0;
	s21 =	sshll.u32 s9, $0x1;
	s9 =	sadd.s32 s22, s7  }
0xa1: {  	[timem:s11], [sflag:s23] =	dma.local [hbm:s9], s21  }
0xa2: {  	_ =	swait.ge [sflag:s23], s21  }
0xa3: {  	s8 =	ssub.s32 $0x0, s21;
	[sflag:s23] =	ssyncset.done $0x0  }
0xa4: {  	[sflag:s23] =	ssyncadd.s32 s8;
	_ =	sdelay $0x1  }
0xa5: {  	s24 =	simm.s32 $0x1B8B  }
0xa6: {  	_ =	swait.ge [sflag:s24], $0x1  }
0xa7: {  	[sflag:s24] =	ssyncset.done $0x0  }
0xa8: {  	s25 =	simm.s32 $0x1B8E;
	[sflag:s24] =	ssyncadd.s32 $0xFFFFFFFF  }
0xa9: {  	s26 =	simm.s32 $execute0_lowered;
	[smem:$0x3FD2] =	sst s25  }
0xaa: {  	s8 =	sshll.u32 s26, $0x1;
	_ =	strace $0x80000046;
	[dreg:$0x1] =	wrdreg $0xFFFFFFFF  }
0xab: {  	s28 =	simm.s32 $_size_execute0_lowered;
	s7 =	sadd.s32 s7, s8;
	[dreg:$0x0] =	wrdreg $0x0  }
0xac: {  	s8 =	sshll.u32 s28, $0x1;
	[dreg:$0x2] =	wrdreg s7  }
0xad: {  	[dreg:$0x3] =	wrdreg s8  }
0xae: {  	[dreg:$0x4] =	wrdreg $0xC0  }
0xaf: {  	_ =	task [dreg:s11], $0x5FFFF  }
0xb0: {  	[dreg:$0x1] =	wrdreg $0xFFFFFFFF  }
0xb1: {  	[dreg:$0x0] =	wrdreg $0x60  }
0xb2: {  	[dreg:$0x2] =	wrdreg s2  }
0xb3: {  	[dreg:$0x3] =	wrdreg s19  }
0xb4: {  	[dreg:$0x4] =	wrdreg s4  }
0xb5: {  	[dreg:$0x5] =	wrdreg s5  }
0xb6: {  	[dreg:$0x6] =	wrdreg s6  }
0xb7: {  	[dreg:$0x7] =	wrdreg $0x9  }
0xb8: {  	_ =	task.clear_ibuf [dreg:s11], $0x8FFFF;
	_ =	strace $0x90000046  }
0xb9: {  	s29 =	simm.s32 $0x9;
	_ =	strace $0x80000048  }
0xba: {  	_ =	swait.ge [sflag:s29], $0x1  }
0xbb: {  	[sflag:s29] =	ssyncadd.s32 $0xFFFFFFFF  }
0xbc: {  	_ =	strace $0x90000048  }
0xbd: {  	_ =	sfence  }
0xbe: {  	s30 =	sld [smem:$0x0];
	_ =	sdelay $0x2  }
0xbf: {  	s31 =	sshll.u32 s1, $0xD;
	s1 =	sshrl.u32 s1, $0x2  }
0xc0: {  	s3 =	sand.u32 $0x4000, s31;
	s1 =	sadd.s32 s1, s30  }
0xc1: {  	s0 =	sor.u32 s3, s0;
	s1 =	sshll.u32 s1, $0x11  }
0xc2: {  	s0 =	sor.u32 s1, s0  }
0xc3: {  	s0 =	sadd.s32 $0x8F2B, s0  }
0xc4: {  	[sflag:s0] =	ssyncadd.remote.s32 $0x1  }
0xc5: {  	_ =	sfence.sel $0xFFFF  }
0xc6: {  	[dreg:$0x0] =	wrdreg $0xFFFFFFFF;
	(pc) =	sbr.abs _section_cstart, $3  }
0xc7: {  	[dreg:$0x1] =	wrdreg $0xFFFFFFFF  }
0xc8: {  	_ =	task.clear_ibuf [dreg:s11], $0x2FFFF;
	_ =	strace $0x9FFFFFFF  }
0xc9: {  	(tm) =	ssettm $0x7FFFFFFF  }
tec
execute0_lowered:
.L_overlay_start_1:
0x0: {  	(tag) =	ssettag $0x1  }
0x1: {  	s0 =	rddreg [dreg:$0x0]  }
0x2: {  	s1 =	rddreg [dreg:$0x1]  }
0x3: {  	s2 =	rddreg [dreg:$0x2]  }
0x4: {  	s6 =	rddreg [dreg:$0x3]  }
0x5: {  	s10 =	rddreg [dreg:$0x4];
	s5 =	srdreg.scid;
	s4 =	simm.s32 $0x0  }
0x6: {  	s3 =	stileid.u32;
	s14 =	simm.s32 $0x180;
	s16 =	simm.s32 $0x1  }
0x7: {  	s17 =	simm.s32 $0x200;
	s18 =	simm.s32 $0x400;
	s19 =	simm.s32 $0x280  }
0x8: {  	s20 =	simm.s32 $0x480;
	s21 =	simm.s32 $0x300;
	s22 =	simm.s32 $0x500  }
0x9: {  	s23 =	simm.s32 $0x380;
	s24 =	simm.s32 $0x580;
	s28 =	simm.s32 $0x800  }
0xa: {  	s29 =	simm.s32 $0x880;
	s30 =	simm.s32 $0x900;
	s5 =	sand.u32 $0x1, s5  }
0xb: {  	s31 =	simm.s32 $0x980;
	s7 =	sshll.u32 s3, $0x7;
	s8 =	sshll.u32 s5, $0x6  }
0xc: {  	[smem:$0x7FF] =	sst s4;
	s5 =	ssub.s32 $0x2, s5;
	s7 =	sor.u32 s8, s7  }
0xd: {  	_ =	strace $0x80000047;
	s12 =	sshrl.u32 s5, $0x1;
	s8 =	sadd.s32 s0, s7  }
0xe: {  	s9 =	sor.u32 $0x10, s7;
	s11 =	sor.u32 $0x20, s7;
	s12 =	ssub.s32 s5, s12  }
0xf: {  	s13 =	sor.u32 $0x30, s7;
	s6 =	sadd.s32 s6, s7;
	s7 =	sadd.s32 s10, s7  }
0x10: {  	[dreg:$0x6] =	wrdreg s8;
	s25 =	sadd.s32 s0, s9;
	s26 =	sadd.s32 s0, s11  }
0x11: {  	s5 =	sadd.s32 s0, s13;
	s8 =	sadd.s32 s10, s9;
	s9 =	sadd.s32 s10, s11  }
0x12: {  	s10 =	sadd.s32 s10, s13;
	s11 =	smax.u32 s12, $0x1;
	s12 =	simm.s32 $0x80  }
0x13: {  	s13 =	simm.s32 $0x100;
	s0 =	simm.s32 $0x4;
	[dreg:$0x7] =	wrdreg s25  }
0x14: {  	[dreg:$0x8] =	wrdreg s26;
	s25 =	simm.s32 $0x3;
	s26 =	simm.s32 $0x2  }
.LBB2_1:
0x15: {  	s3 =	rddreg [dreg:$0x6]  }
0x16: {  	[tilespmem:s4], [sflag:$0x1] =	stream.linear.gather [hbm4b:s3+s4], $0x80, $0x38;
	[tilespmem:$0xA00] =	vst v63  }
0x17: {  	s15 =	rddreg [dreg:$0x7]  }
0x18: {  	[tilespmem:s12], [sflag:$0x1] =	stream.linear.gather [hbm4b:s15+s4], $0x80, $0x38;
	[tilespmem:$0xA00] =	vst v63  }
0x19: {  	s3 =	rddreg [dreg:$0x8]  }
0x1a: {  	[tilespmem:s13], [sflag:$0x1] =	stream.linear.gather [hbm4b:s3+s4], $0x80, $0x38;
	[tilespmem:$0xA00] =	vst v63  }
0x1b: {  	_ = 	snop  }
0x1c: {  	[tilespmem:s14], [sflag:$0x1] =	stream.linear.gather [hbm4b:s5+s4], $0x80, $0x38;
	[tilespmem:$0xA00] =	vst v63  }
0x1d: {  	s15 =	simm.s32 $0x600  }
0x1e: {  	[tilespmem:s15], [sflag:$0x3] =	stream.linear.gather [hbm4b:s6+s4], $0x200, $0x38;
	[tilespmem:$0xA00] =	vst v63  }
0x1f: {  	_ =	swait.ge [sflag:s16], $0x80  }
0x20: {  	[sflag:s16] =	ssyncset.done $0x0  }
0x21: {  	[sflag:s16] =	ssyncadd.s32 $0xFFFFFF80  }
0x22: {  	[tilespmem:s17], [sflag:$0x2] =	stream.indirect.gather [hbm4b:s1+s12], $0x1, s4, s12, $0xb8;
	[tilespmem:$0xA00] =	vst v63  }
0x23: {  	_ = 	snop  }
0x24: {  	[tilespmem:s18], [sflag:$0x2] =	stream.indirect.gather [hbm4b:s2+s12], $0x1, s4, s12, $0xb8;
	[tilespmem:$0xA00] =	vst v63  }
0x25: {  	_ =	swait.ge [sflag:s16], $0x80  }
0x26: {  	[sflag:s16] =	ssyncset.done $0x0  }
0x27: {  	[sflag:s16] =	ssyncadd.s32 $0xFFFFFF80  }
0x28: {  	[tilespmem:s19], [sflag:$0x2] =	stream.indirect.gather [hbm4b:s1+s12], $0x1, s12, s12, $0xb8;
	[tilespmem:$0xA00] =	vst v63  }
0x29: {  	_ = 	snop  }
0x2a: {  	[tilespmem:s20], [sflag:$0x2] =	stream.indirect.gather [hbm4b:s2+s12], $0x1, s12, s12, $0xb8;
	[tilespmem:$0xA00] =	vst v63  }
0x2b: {  	_ =	swait.ge [sflag:s16], $0x80  }
0x2c: {  	[sflag:s16] =	ssyncset.done $0x0  }
0x2d: {  	[sflag:s16] =	ssyncadd.s32 $0xFFFFFF80  }
0x2e: {  	[tilespmem:s21], [sflag:$0x2] =	stream.indirect.gather [hbm4b:s1+s12], $0x1, s13, s12, $0xb8;
	[tilespmem:$0xA00] =	vst v63  }
0x2f: {  	_ = 	snop  }
0x30: {  	[tilespmem:s22], [sflag:$0x2] =	stream.indirect.gather [hbm4b:s2+s12], $0x1, s13, s12, $0xb8;
	[tilespmem:$0xA00] =	vst v63  }
0x31: {  	_ =	swait.ge [sflag:s16], $0x80  }
0x32: {  	[sflag:s16] =	ssyncset.done $0x0  }
0x33: {  	[sflag:s16] =	ssyncadd.s32 $0xFFFFFF80  }
0x34: {  	[tilespmem:s23], [sflag:$0x2] =	stream.indirect.gather [hbm4b:s1+s12], $0x1, s14, s12, $0xb8;
	[tilespmem:$0xA00] =	vst v63  }
0x35: {  	_ = 	snop  }
0x36: {  	[tilespmem:s24], [sflag:$0x2] =	stream.indirect.gather [hbm4b:s2+s12], $0x1, s14, s12, $0xb8;
	[tilespmem:$0xA00] =	vst v63  }
0x37: {  	_ =	swait.ge [sflag:s25], $0x200  }
0x38: {  	[sflag:s25] =	ssyncset.done $0x0  }
0x39: {  	[sflag:s25] =	ssyncadd.s32 $0xFFFFFE00  }
0x3a: {  	_ =	swait.ge [sflag:s26], $0x80  }
0x3b: {  	[sflag:s26] =	ssyncset.done $0x0  }
0x3c: {  	[sflag:s26] =	ssyncadd.s32 $0xFFFFFF80  }
0x3d: {  	_ =	swait.ge [sflag:s26], $0x80  }
0x3e: {  	[sflag:s26] =	ssyncset.done $0x0  }
0x3f: {  	[sflag:s26] =	ssyncadd.s32 $0xFFFFFF80  }
0x40: {  	v0 =	vld [tilespmem:$0x400];
	_ =	sdelay $0x4  }
0x41: {  	v0 =	vmul.f32 $1.442695020e+00, v0;
	_ =	sdelay $0x1  }
0x42: {  	(erf) = vpow2.f32 v0;
	_ =	sdelay $0x4  }
0x43: {  	v27 =	vld [tilespmem:$0x600];
	_ =	sdelay $0x1  }
0x44: {  	v1 =	vld [tilespmem:$0x200];
	_ =	sdelay $0x1  }
0x45: {  	v2 =	vpop (erf)  }
0x46: {  	v0 =	vmul.f32 v27, v2;
	_ =	sdelay $0x1  }
0x47: {  	v28 =	vld [tilespmem:$0x410];
	v0 =	vadd.f32 v0, v1;
	_ =	sdelay $0x1  }
0x48: {  	v0 =	vmul.f32 $2.302585120e+00, v0;
	_ =	sdelay $0x1  }
0x49: {  	v0 =	vmul.f32 $1.442695020e+00, v0  }
0x4a: {  	v1 =	vmul.f32 $1.442695020e+00, v28  }
0x4b: {  	(erf) = vpow2.f32 v0  }
0x4c: {  	(erf) = vpow2.f32 v1;
	_ =	sdelay $0x4  }
0x4d: {  	v29 =	vld [tilespmem:$0x610];
	_ =	sdelay $0x1  }
0x4e: {  	v30 =	vld [tilespmem:$0x210]  }
0x4f: {  	v31 =	vpop (erf)  }
0x50: {  	v3 =	vpop (erf)  }
0x51: {  	v0 =	vmul.f32 v29, v3;
	_ =	sdelay $0x1  }
0x52: {  	v32 =	vld [tilespmem:$0x420];
	v0 =	vadd.f32 v0, v30;
	_ =	sdelay $0x1  }
0x53: {  	v0 =	vmul.f32 $2.302585120e+00, v0;
	_ =	sdelay $0x1  }
0x54: {  	v0 =	vmul.f32 $1.442695020e+00, v0  }
0x55: {  	v1 =	vmul.f32 $1.442695020e+00, v32  }
0x56: {  	(erf) = vpow2.f32 v0  }
0x57: {  	(erf) = vpow2.f32 v1;
	_ =	sdelay $0x4  }
0x58: {  	v33 =	vld [tilespmem:$0x620];
	_ =	sdelay $0x1  }
0x59: {  	v34 =	vld [tilespmem:$0x220]  }
0x5a: {  	v35 =	vpop (erf)  }
0x5b: {  	v4 =	vpop (erf)  }
0x5c: {  	v0 =	vmul.f32 v33, v4;
	_ =	sdelay $0x1  }
0x5d: {  	v36 =	vld [tilespmem:$0x430];
	v0 =	vadd.f32 v0, v34;
	_ =	sdelay $0x1  }
0x5e: {  	v0 =	vmul.f32 $2.302585120e+00, v0;
	_ =	sdelay $0x1  }
0x5f: {  	v0 =	vmul.f32 $1.442695020e+00, v0  }
0x60: {  	v1 =	vmul.f32 $1.442695020e+00, v36  }
0x61: {  	(erf) = vpow2.f32 v0  }
0x62: {  	(erf) = vpow2.f32 v1;
	_ =	sdelay $0x4  }
0x63: {  	v37 =	vld [tilespmem:$0x630];
	_ =	sdelay $0x1  }
0x64: {  	v38 =	vld [tilespmem:$0x230]  }
0x65: {  	v39 =	vpop (erf)  }
0x66: {  	v5 =	vpop (erf)  }
0x67: {  	v0 =	vmul.f32 v37, v5;
	_ =	sdelay $0x1  }
0x68: {  	v40 =	vld [tilespmem:$0x440];
	v0 =	vadd.f32 v0, v38;
	_ =	sdelay $0x1  }
0x69: {  	v0 =	vmul.f32 $2.302585120e+00, v0;
	_ =	sdelay $0x1  }
0x6a: {  	v0 =	vmul.f32 $1.442695020e+00, v0  }
0x6b: {  	v1 =	vmul.f32 $1.442695020e+00, v40  }
0x6c: {  	(erf) = vpow2.f32 v0  }
0x6d: {  	(erf) = vpow2.f32 v1;
	_ =	sdelay $0x4  }
0x6e: {  	v41 =	vld [tilespmem:$0x640];
	_ =	sdelay $0x1  }
0x6f: {  	v42 =	vld [tilespmem:$0x240]  }
0x70: {  	v43 =	vpop (erf)  }
0x71: {  	v6 =	vpop (erf)  }
0x72: {  	v0 =	vmul.f32 v41, v6;
	_ =	sdelay $0x1  }
0x73: {  	v44 =	vld [tilespmem:$0x450];
	v0 =	vadd.f32 v0, v42;
	_ =	sdelay $0x1  }
0x74: {  	v0 =	vmul.f32 $2.302585120e+00, v0;
	_ =	sdelay $0x1  }
0x75: {  	v0 =	vmul.f32 $1.442695020e+00, v0  }
0x76: {  	v1 =	vmul.f32 $1.442695020e+00, v44  }
0x77: {  	(erf) = vpow2.f32 v0  }
0x78: {  	(erf) = vpow2.f32 v1;
	_ =	sdelay $0x4  }
0x79: {  	v45 =	vld [tilespmem:$0x650];
	_ =	sdelay $0x1  }
0x7a: {  	v46 =	vld [tilespmem:$0x250]  }
0x7b: {  	v47 =	vpop (erf)  }
0x7c: {  	v7 =	vpop (erf)  }
0x7d: {  	v0 =	vmul.f32 v45, v7;
	_ =	sdelay $0x1  }
0x7e: {  	v48 =	vld [tilespmem:$0x460];
	v0 =	vadd.f32 v0, v46;
	_ =	sdelay $0x1  }
0x7f: {  	v0 =	vmul.f32 $2.302585120e+00, v0;
	_ =	sdelay $0x1  }
0x80: {  	v0 =	vmul.f32 $1.442695020e+00, v0  }
0x81: {  	v1 =	vmul.f32 $1.442695020e+00, v48  }
0x82: {  	(erf) = vpow2.f32 v0  }
0x83: {  	(erf) = vpow2.f32 v1;
	_ =	sdelay $0x4  }
0x84: {  	v49 =	vld [tilespmem:$0x660];
	_ =	sdelay $0x1  }
0x85: {  	v50 =	vld [tilespmem:$0x260]  }
0x86: {  	v51 =	vpop (erf)  }
0x87: {  	v8 =	vpop (erf)  }
0x88: {  	v0 =	vmul.f32 v49, v8;
	_ =	sdelay $0x1  }
0x89: {  	v52 =	vld [tilespmem:$0x470];
	v0 =	vadd.f32 v0, v50;
	_ =	sdelay $0x1  }
0x8a: {  	v0 =	vmul.f32 $2.302585120e+00, v0;
	_ =	sdelay $0x1  }
0x8b: {  	v0 =	vmul.f32 $1.442695020e+00, v0  }
0x8c: {  	v1 =	vmul.f32 $1.442695020e+00, v52  }
0x8d: {  	(erf) = vpow2.f32 v0  }
0x8e: {  	(erf) = vpow2.f32 v1;
	_ =	sdelay $0x4  }
0x8f: {  	v53 =	vld [tilespmem:$0x670];
	_ =	sdelay $0x1  }
0x90: {  	v54 =	vld [tilespmem:$0x270]  }
0x91: {  	v55 =	vpop (erf)  }
0x92: {  	v9 =	vpop (erf)  }
0x93: {  	v0 =	vmul.f32 v53, v9;
	_ =	sdelay $0x1  }
0x94: {  	v0 =	vadd.f32 v0, v54;
	_ =	sdelay $0x1  }
0x95: {  	v0 =	vmul.f32 $2.302585120e+00, v0;
	_ =	sdelay $0x1  }
0x96: {  	v0 =	vmul.f32 $1.442695020e+00, v0;
	_ =	sdelay $0x1  }
0x97: {  	(erf) = vpow2.f32 v0;
	_ =	sdelay $0x2  }
0x98: {  	[tilespmem:$0x800] =	vst v31  }
0x99: {  	[tilespmem:$0x810] =	vst v35  }
0x9a: {  	[tilespmem:$0x820] =	vst v39  }
0x9b: {  	[tilespmem:$0x830] =	vst v43  }
0x9c: {  	[tilespmem:$0x840] =	vst v47  }
0x9d: {  	[tilespmem:$0x850] =	vst v51  }
0x9e: {  	[tilespmem:$0x860] =	vst v55;
	v0 =	vpop (erf)  }
0x9f: {  	[tilespmem:$0x870] =	vst v0  }
0xa0: {  	[hbm4b:s7+s4] =	stream.linear.scatter [tilespmem:s28], [sflag:$0x4], $0x80, $0x38;
	[tilespmem:$0xA00] =	vst v63  }
0xa1: {  	_ =	swait.ge [sflag:s26], $0x80  }
0xa2: {  	[sflag:s26] =	ssyncset.done $0x0  }
0xa3: {  	[sflag:s26] =	ssyncadd.s32 $0xFFFFFF80  }
0xa4: {  	_ =	swait.ge [sflag:s26], $0x80  }
0xa5: {  	[sflag:s26] =	ssyncset.done $0x0  }
0xa6: {  	[sflag:s26] =	ssyncadd.s32 $0xFFFFFF80  }
0xa7: {  	v56 =	vld [tilespmem:$0x480];
	_ =	sdelay $0x4  }
0xa8: {  	v0 =	vmul.f32 $1.442695020e+00, v56;
	_ =	sdelay $0x1  }
0xa9: {  	(erf) = vpow2.f32 v0;
	_ =	sdelay $0x4  }
0xaa: {  	v57 =	vld [tilespmem:$0x680];
	_ =	sdelay $0x1  }
0xab: {  	v58 =	vld [tilespmem:$0x280];
	_ =	sdelay $0x1  }
0xac: {  	v59 =	vpop (erf)  }
0xad: {  	v0 =	vmul.f32 v57, v59;
	_ =	sdelay $0x1  }
0xae: {  	v60 =	vld [tilespmem:$0x490];
	v0 =	vadd.f32 v0, v58;
	_ =	sdelay $0x1  }
0xaf: {  	v0 =	vmul.f32 $2.302585120e+00, v0;
	_ =	sdelay $0x1  }
0xb0: {  	v0 =	vmul.f32 $1.442695020e+00, v0  }
0xb1: {  	v1 =	vmul.f32 $1.442695020e+00, v60  }
0xb2: {  	(erf) = vpow2.f32 v0  }
0xb3: {  	(erf) = vpow2.f32 v1;
	_ =	sdelay $0x4  }
0xb4: {  	v61 =	vld [tilespmem:$0x690];
	_ =	sdelay $0x1  }
0xb5: {  	v62 =	vld [tilespmem:$0x290]  }
0xb6: {  	v63 =	vpop (erf)  }
0xb7: {  	v10 =	vpop (erf)  }
0xb8: {  	v0 =	vmul.f32 v61, v10;
	_ =	sdelay $0x1  }
0xb9: {  	v11 =	vld [tilespmem:$0x4A0];
	v0 =	vadd.f32 v0, v62;
	_ =	sdelay $0x1  }
0xba: {  	v0 =	vmul.f32 $2.302585120e+00, v0;
	_ =	sdelay $0x1  }
0xbb: {  	v0 =	vmul.f32 $1.442695020e+00, v0  }
0xbc: {  	v1 =	vmul.f32 $1.442695020e+00, v11  }
0xbd: {  	(erf) = vpow2.f32 v0  }
0xbe: {  	(erf) = vpow2.f32 v1;
	_ =	sdelay $0x4  }
0xbf: {  	v12 =	vld [tilespmem:$0x6A0];
	_ =	sdelay $0x1  }
0xc0: {  	v13 =	vld [tilespmem:$0x2A0]  }
0xc1: {  	v14 =	vpop (erf)  }
0xc2: {  	v15 =	vpop (erf)  }
0xc3: {  	v0 =	vmul.f32 v12, v15;
	_ =	sdelay $0x1  }
0xc4: {  	v16 =	vld [tilespmem:$0x4B0];
	v0 =	vadd.f32 v0, v13;
	_ =	sdelay $0x1  }
0xc5: {  	v0 =	vmul.f32 $2.302585120e+00, v0;
	_ =	sdelay $0x1  }
0xc6: {  	v0 =	vmul.f32 $1.442695020e+00, v0  }
0xc7: {  	v1 =	vmul.f32 $1.442695020e+00, v16  }
0xc8: {  	(erf) = vpow2.f32 v0  }
0xc9: {  	(erf) = vpow2.f32 v1;
	_ =	sdelay $0x4  }
0xca: {  	v17 =	vld [tilespmem:$0x6B0];
	_ =	sdelay $0x1  }
0xcb: {  	v18 =	vld [tilespmem:$0x2B0]  }
0xcc: {  	v19 =	vpop (erf)  }
0xcd: {  	v20 =	vpop (erf)  }
0xce: {  	v0 =	vmul.f32 v17, v20;
	_ =	sdelay $0x1  }
0xcf: {  	v21 =	vld [tilespmem:$0x4C0];
	v0 =	vadd.f32 v0, v18;
	_ =	sdelay $0x1  }
0xd0: {  	v0 =	vmul.f32 $2.302585120e+00, v0;
	_ =	sdelay $0x1  }
0xd1: {  	v0 =	vmul.f32 $1.442695020e+00, v0  }
0xd2: {  	v1 =	vmul.f32 $1.442695020e+00, v21  }
0xd3: {  	(erf) = vpow2.f32 v0  }
0xd4: {  	(erf) = vpow2.f32 v1;
	_ =	sdelay $0x4  }
0xd5: {  	v22 =	vld [tilespmem:$0x6C0];
	_ =	sdelay $0x1  }
0xd6: {  	v23 =	vld [tilespmem:$0x2C0]  }
0xd7: {  	v24 =	vpop (erf)  }
0xd8: {  	v25 =	vpop (erf)  }
0xd9: {  	v0 =	vmul.f32 v22, v25;
	_ =	sdelay $0x1  }
0xda: {  	v26 =	vld [tilespmem:$0x4D0];
	v0 =	vadd.f32 v0, v23;
	_ =	sdelay $0x1  }
0xdb: {  	v0 =	vmul.f32 $2.302585120e+00, v0;
	_ =	sdelay $0x1  }
0xdc: {  	v0 =	vmul.f32 $1.442695020e+00, v0  }
0xdd: {  	v1 =	vmul.f32 $1.442695020e+00, v26  }
0xde: {  	(erf) = vpow2.f32 v0  }
0xdf: {  	(erf) = vpow2.f32 v1;
	_ =	sdelay $0x4  }
0xe0: {  	v27 =	vld [tilespmem:$0x6D0];
	_ =	sdelay $0x1  }
0xe1: {  	v28 =	vld [tilespmem:$0x2D0]  }
0xe2: {  	v29 =	vpop (erf)  }
0xe3: {  	v30 =	vpop (erf)  }
0xe4: {  	v0 =	vmul.f32 v27, v30;
	_ =	sdelay $0x1  }
0xe5: {  	v31 =	vld [tilespmem:$0x4E0];
	v0 =	vadd.f32 v0, v28;
	_ =	sdelay $0x1  }
0xe6: {  	v0 =	vmul.f32 $2.302585120e+00, v0;
	_ =	sdelay $0x1  }
0xe7: {  	v0 =	vmul.f32 $1.442695020e+00, v0  }
0xe8: {  	v1 =	vmul.f32 $1.442695020e+00, v31  }
0xe9: {  	(erf) = vpow2.f32 v0  }
0xea: {  	(erf) = vpow2.f32 v1;
	_ =	sdelay $0x4  }
0xeb: {  	v32 =	vld [tilespmem:$0x6E0];
	_ =	sdelay $0x1  }
0xec: {  	v33 =	vld [tilespmem:$0x2E0]  }
0xed: {  	v34 =	vpop (erf)  }
0xee: {  	v35 =	vpop (erf)  }
0xef: {  	v0 =	vmul.f32 v32, v35;
	_ =	sdelay $0x1  }
0xf0: {  	v36 =	vld [tilespmem:$0x4F0];
	v0 =	vadd.f32 v0, v33;
	_ =	sdelay $0x1  }
0xf1: {  	v0 =	vmul.f32 $2.302585120e+00, v0;
	_ =	sdelay $0x1  }
0xf2: {  	v0 =	vmul.f32 $1.442695020e+00, v0  }
0xf3: {  	v1 =	vmul.f32 $1.442695020e+00, v36  }
0xf4: {  	(erf) = vpow2.f32 v0  }
0xf5: {  	(erf) = vpow2.f32 v1;
	_ =	sdelay $0x4  }
0xf6: {  	v37 =	vld [tilespmem:$0x6F0];
	_ =	sdelay $0x1  }
0xf7: {  	v38 =	vld [tilespmem:$0x2F0]  }
0xf8: {  	v39 =	vpop (erf)  }
0xf9: {  	v40 =	vpop (erf)  }
0xfa: {  	v0 =	vmul.f32 v37, v40;
	_ =	sdelay $0x1  }
0xfb: {  	v0 =	vadd.f32 v0, v38;
	_ =	sdelay $0x1  }
0xfc: {  	v0 =	vmul.f32 $2.302585120e+00, v0;
	_ =	sdelay $0x1  }
0xfd: {  	v0 =	vmul.f32 $1.442695020e+00, v0;
	_ =	sdelay $0x1  }
0xfe: {  	(erf) = vpow2.f32 v0;
	_ =	sdelay $0x2  }
0xff: {  	[tilespmem:$0x880] =	vst v63  }
0x100: {  	[tilespmem:$0x890] =	vst v14  }
0x101: {  	[tilespmem:$0x8A0] =	vst v19  }
0x102: {  	[tilespmem:$0x8B0] =	vst v24  }
0x103: {  	[tilespmem:$0x8C0] =	vst v29  }
0x104: {  	[tilespmem:$0x8D0] =	vst v34  }
0x105: {  	[tilespmem:$0x8E0] =	vst v39;
	v0 =	vpop (erf)  }
0x106: {  	[tilespmem:$0x8F0] =	vst v0  }
0x107: {  	[hbm4b:s8+s4] =	stream.linear.scatter [tilespmem:s29], [sflag:$0x4], $0x80, $0x38;
	[tilespmem:$0xA00] =	vst v63  }
0x108: {  	_ =	swait.ge [sflag:s26], $0x80  }
0x109: {  	[sflag:s26] =	ssyncset.done $0x0  }
0x10a: {  	[sflag:s26] =	ssyncadd.s32 $0xFFFFFF80  }
0x10b: {  	_ =	swait.ge [sflag:s26], $0x80  }
0x10c: {  	[sflag:s26] =	ssyncset.done $0x0  }
0x10d: {  	[sflag:s26] =	ssyncadd.s32 $0xFFFFFF80  }
0x10e: {  	v41 =	vld [tilespmem:$0x500];
	_ =	sdelay $0x4  }
0x10f: {  	v0 =	vmul.f32 $1.442695020e+00, v41;
	_ =	sdelay $0x1  }
0x110: {  	(erf) = vpow2.f32 v0;
	_ =	sdelay $0x4  }
0x111: {  	v42 =	vld [tilespmem:$0x700];
	_ =	sdelay $0x1  }
0x112: {  	v43 =	vld [tilespmem:$0x300];
	_ =	sdelay $0x1  }
0x113: {  	v44 =	vpop (erf)  }
0x114: {  	v0 =	vmul.f32 v42, v44;
	_ =	sdelay $0x1  }
0x115: {  	v45 =	vld [tilespmem:$0x510];
	v0 =	vadd.f32 v0, v43;
	_ =	sdelay $0x1  }
0x116: {  	v0 =	vmul.f32 $2.302585120e+00, v0;
	_ =	sdelay $0x1  }
0x117: {  	v0 =	vmul.f32 $1.442695020e+00, v0  }
0x118: {  	v1 =	vmul.f32 $1.442695020e+00, v45  }
0x119: {  	(erf) = vpow2.f32 v0  }
0x11a: {  	(erf) = vpow2.f32 v1;
	_ =	sdelay $0x4  }
0x11b: {  	v46 =	vld [tilespmem:$0x710];
	_ =	sdelay $0x1  }
0x11c: {  	v47 =	vld [tilespmem:$0x310]  }
0x11d: {  	v48 =	vpop (erf)  }
0x11e: {  	v49 =	vpop (erf)  }
0x11f: {  	v0 =	vmul.f32 v46, v49;
	_ =	sdelay $0x1  }
0x120: {  	v50 =	vld [tilespmem:$0x520];
	v0 =	vadd.f32 v0, v47;
	_ =	sdelay $0x1  }
0x121: {  	v0 =	vmul.f32 $2.302585120e+00, v0;
	_ =	sdelay $0x1  }
0x122: {  	v0 =	vmul.f32 $1.442695020e+00, v0  }
0x123: {  	v1 =	vmul.f32 $1.442695020e+00, v50  }
0x124: {  	(erf) = vpow2.f32 v0  }
0x125: {  	(erf) = vpow2.f32 v1;
	_ =	sdelay $0x4  }
0x126: {  	v51 =	vld [tilespmem:$0x720];
	_ =	sdelay $0x1  }
0x127: {  	v52 =	vld [tilespmem:$0x320]  }
0x128: {  	v53 =	vpop (erf)  }
0x129: {  	v54 =	vpop (erf)  }
0x12a: {  	v0 =	vmul.f32 v51, v54;
	_ =	sdelay $0x1  }
0x12b: {  	v55 =	vld [tilespmem:$0x530];
	v0 =	vadd.f32 v0, v52;
	_ =	sdelay $0x1  }
0x12c: {  	v0 =	vmul.f32 $2.302585120e+00, v0;
	_ =	sdelay $0x1  }
0x12d: {  	v0 =	vmul.f32 $1.442695020e+00, v0  }
0x12e: {  	v1 =	vmul.f32 $1.442695020e+00, v55  }
0x12f: {  	(erf) = vpow2.f32 v0  }
0x130: {  	(erf) = vpow2.f32 v1;
	_ =	sdelay $0x4  }
0x131: {  	v56 =	vld [tilespmem:$0x730];
	_ =	sdelay $0x1  }
0x132: {  	v57 =	vld [tilespmem:$0x330]  }
0x133: {  	v58 =	vpop (erf)  }
0x134: {  	v59 =	vpop (erf)  }
0x135: {  	v0 =	vmul.f32 v56, v59;
	_ =	sdelay $0x1  }
0x136: {  	v60 =	vld [tilespmem:$0x540];
	v0 =	vadd.f32 v0, v57;
	_ =	sdelay $0x1  }
0x137: {  	v0 =	vmul.f32 $2.302585120e+00, v0;
	_ =	sdelay $0x1  }
0x138: {  	v0 =	vmul.f32 $1.442695020e+00, v0  }
0x139: {  	v1 =	vmul.f32 $1.442695020e+00, v60  }
0x13a: {  	(erf) = vpow2.f32 v0  }
0x13b: {  	(erf) = vpow2.f32 v1;
	_ =	sdelay $0x4  }
0x13c: {  	v61 =	vld [tilespmem:$0x740];
	_ =	sdelay $0x1  }
0x13d: {  	v62 =	vld [tilespmem:$0x340]  }
0x13e: {  	v63 =	vpop (erf)  }
0x13f: {  	v9 =	vpop (erf)  }
0x140: {  	v0 =	vmul.f32 v61, v9;
	_ =	sdelay $0x1  }
0x141: {  	v10 =	vld [tilespmem:$0x550];
	v0 =	vadd.f32 v0, v62;
	_ =	sdelay $0x1  }
0x142: {  	v0 =	vmul.f32 $2.302585120e+00, v0;
	_ =	sdelay $0x1  }
0x143: {  	v0 =	vmul.f32 $1.442695020e+00, v0  }
0x144: {  	v1 =	vmul.f32 $1.442695020e+00, v10  }
0x145: {  	(erf) = vpow2.f32 v0  }
0x146: {  	(erf) = vpow2.f32 v1;
	_ =	sdelay $0x4  }
0x147: {  	v11 =	vld [tilespmem:$0x750];
	_ =	sdelay $0x1  }
0x148: {  	v12 =	vld [tilespmem:$0x350]  }
0x149: {  	v13 =	vpop (erf)  }
0x14a: {  	v14 =	vpop (erf)  }
0x14b: {  	v0 =	vmul.f32 v11, v14;
	_ =	sdelay $0x1  }
0x14c: {  	v15 =	vld [tilespmem:$0x560];
	v0 =	vadd.f32 v0, v12;
	_ =	sdelay $0x1  }
0x14d: {  	v0 =	vmul.f32 $2.302585120e+00, v0;
	_ =	sdelay $0x1  }
0x14e: {  	v0 =	vmul.f32 $1.442695020e+00, v0  }
0x14f: {  	v1 =	vmul.f32 $1.442695020e+00, v15  }
0x150: {  	(erf) = vpow2.f32 v0  }
0x151: {  	(erf) = vpow2.f32 v1;
	_ =	sdelay $0x4  }
0x152: {  	v16 =	vld [tilespmem:$0x760];
	_ =	sdelay $0x1  }
0x153: {  	v17 =	vld [tilespmem:$0x360]  }
0x154: {  	v18 =	vpop (erf)  }
0x155: {  	v19 =	vpop (erf)  }
0x156: {  	v0 =	vmul.f32 v16, v19;
	_ =	sdelay $0x1  }
0x157: {  	v20 =	vld [tilespmem:$0x570];
	v0 =	vadd.f32 v0, v17;
	_ =	sdelay $0x1  }
0x158: {  	v0 =	vmul.f32 $2.302585120e+00, v0;
	_ =	sdelay $0x1  }
0x159: {  	v0 =	vmul.f32 $1.442695020e+00, v0  }
0x15a: {  	v1 =	vmul.f32 $1.442695020e+00, v20  }
0x15b: {  	(erf) = vpow2.f32 v0  }
0x15c: {  	(erf) = vpow2.f32 v1;
	_ =	sdelay $0x4  }
0x15d: {  	v21 =	vld [tilespmem:$0x770];
	_ =	sdelay $0x1  }
0x15e: {  	v22 =	vld [tilespmem:$0x370]  }
0x15f: {  	v23 =	vpop (erf)  }
0x160: {  	v24 =	vpop (erf)  }
0x161: {  	v0 =	vmul.f32 v21, v24;
	_ =	sdelay $0x1  }
0x162: {  	v0 =	vadd.f32 v0, v22;
	_ =	sdelay $0x1  }
0x163: {  	v0 =	vmul.f32 $2.302585120e+00, v0;
	_ =	sdelay $0x1  }
0x164: {  	v0 =	vmul.f32 $1.442695020e+00, v0;
	_ =	sdelay $0x1  }
0x165: {  	(erf) = vpow2.f32 v0;
	_ =	sdelay $0x2  }
0x166: {  	[tilespmem:$0x900] =	vst v48  }
0x167: {  	[tilespmem:$0x910] =	vst v53  }
0x168: {  	[tilespmem:$0x920] =	vst v58  }
0x169: {  	[tilespmem:$0x930] =	vst v63  }
0x16a: {  	[tilespmem:$0x940] =	vst v13  }
0x16b: {  	[tilespmem:$0x950] =	vst v18  }
0x16c: {  	[tilespmem:$0x960] =	vst v23;
	v0 =	vpop (erf)  }
0x16d: {  	[tilespmem:$0x970] =	vst v0  }
0x16e: {  	[hbm4b:s9+s4] =	stream.linear.scatter [tilespmem:s30], [sflag:$0x4], $0x80, $0x38;
	[tilespmem:$0xA00] =	vst v63  }
0x16f: {  	_ =	swait.ge [sflag:s26], $0x80  }
0x170: {  	[sflag:s26] =	ssyncset.done $0x0  }
0x171: {  	[sflag:s26] =	ssyncadd.s32 $0xFFFFFF80  }
0x172: {  	_ =	swait.ge [sflag:s26], $0x80  }
0x173: {  	[sflag:s26] =	ssyncset.done $0x0  }
0x174: {  	[sflag:s26] =	ssyncadd.s32 $0xFFFFFF80  }
0x175: {  	v25 =	vld [tilespmem:$0x580];
	_ =	sdelay $0x4  }
0x176: {  	v0 =	vmul.f32 $1.442695020e+00, v25;
	_ =	sdelay $0x1  }
0x177: {  	(erf) = vpow2.f32 v0;
	_ =	sdelay $0x4  }
0x178: {  	v26 =	vld [tilespmem:$0x780];
	_ =	sdelay $0x1  }
0x179: {  	v27 =	vld [tilespmem:$0x380];
	_ =	sdelay $0x1  }
0x17a: {  	v28 =	vpop (erf)  }
0x17b: {  	v0 =	vmul.f32 v26, v28;
	_ =	sdelay $0x1  }
0x17c: {  	v29 =	vld [tilespmem:$0x590];
	v0 =	vadd.f32 v0, v27;
	_ =	sdelay $0x1  }
0x17d: {  	v0 =	vmul.f32 $2.302585120e+00, v0;
	_ =	sdelay $0x1  }
0x17e: {  	v0 =	vmul.f32 $1.442695020e+00, v0  }
0x17f: {  	v1 =	vmul.f32 $1.442695020e+00, v29  }
0x180: {  	(erf) = vpow2.f32 v0  }
0x181: {  	(erf) = vpow2.f32 v1;
	_ =	sdelay $0x4  }
0x182: {  	v30 =	vld [tilespmem:$0x790];
	_ =	sdelay $0x1  }
0x183: {  	v31 =	vld [tilespmem:$0x390]  }
0x184: {  	v32 =	vpop (erf)  }
0x185: {  	v33 =	vpop (erf)  }
0x186: {  	v0 =	vmul.f32 v30, v33;
	_ =	sdelay $0x1  }
0x187: {  	v34 =	vld [tilespmem:$0x5A0];
	v0 =	vadd.f32 v0, v31;
	_ =	sdelay $0x1  }
0x188: {  	v0 =	vmul.f32 $2.302585120e+00, v0;
	_ =	sdelay $0x1  }
0x189: {  	v0 =	vmul.f32 $1.442695020e+00, v0  }
0x18a: {  	v1 =	vmul.f32 $1.442695020e+00, v34  }
0x18b: {  	(erf) = vpow2.f32 v0  }
0x18c: {  	(erf) = vpow2.f32 v1;
	_ =	sdelay $0x4  }
0x18d: {  	v35 =	vld [tilespmem:$0x7A0];
	_ =	sdelay $0x1  }
0x18e: {  	v36 =	vld [tilespmem:$0x3A0]  }
0x18f: {  	v37 =	vpop (erf)  }
0x190: {  	v38 =	vpop (erf)  }
0x191: {  	v0 =	vmul.f32 v35, v38;
	_ =	sdelay $0x1  }
0x192: {  	v39 =	vld [tilespmem:$0x5B0];
	v0 =	vadd.f32 v0, v36;
	_ =	sdelay $0x1  }
0x193: {  	v0 =	vmul.f32 $2.302585120e+00, v0;
	_ =	sdelay $0x1  }
0x194: {  	v0 =	vmul.f32 $1.442695020e+00, v0  }
0x195: {  	v1 =	vmul.f32 $1.442695020e+00, v39  }
0x196: {  	(erf) = vpow2.f32 v0  }
0x197: {  	(erf) = vpow2.f32 v1;
	_ =	sdelay $0x4  }
0x198: {  	v40 =	vld [tilespmem:$0x7B0];
	_ =	sdelay $0x1  }
0x199: {  	v41 =	vld [tilespmem:$0x3B0]  }
0x19a: {  	v42 =	vpop (erf)  }
0x19b: {  	v43 =	vpop (erf)  }
0x19c: {  	v0 =	vmul.f32 v40, v43;
	_ =	sdelay $0x1  }
0x19d: {  	v44 =	vld [tilespmem:$0x5C0];
	v0 =	vadd.f32 v0, v41;
	_ =	sdelay $0x1  }
0x19e: {  	v0 =	vmul.f32 $2.302585120e+00, v0;
	_ =	sdelay $0x1  }
0x19f: {  	v0 =	vmul.f32 $1.442695020e+00, v0  }
0x1a0: {  	v1 =	vmul.f32 $1.442695020e+00, v44  }
0x1a1: {  	(erf) = vpow2.f32 v0  }
0x1a2: {  	(erf) = vpow2.f32 v1;
	_ =	sdelay $0x4  }
0x1a3: {  	v45 =	vld [tilespmem:$0x7C0];
	_ =	sdelay $0x1  }
0x1a4: {  	v46 =	vld [tilespmem:$0x3C0]  }
0x1a5: {  	v47 =	vpop (erf)  }
0x1a6: {  	v48 =	vpop (erf)  }
0x1a7: {  	v0 =	vmul.f32 v45, v48;
	_ =	sdelay $0x1  }
0x1a8: {  	v49 =	vld [tilespmem:$0x5D0];
	v0 =	vadd.f32 v0, v46;
	_ =	sdelay $0x1  }
0x1a9: {  	v0 =	vmul.f32 $2.302585120e+00, v0;
	_ =	sdelay $0x1  }
0x1aa: {  	v0 =	vmul.f32 $1.442695020e+00, v0  }
0x1ab: {  	v1 =	vmul.f32 $1.442695020e+00, v49  }
0x1ac: {  	(erf) = vpow2.f32 v0  }
0x1ad: {  	(erf) = vpow2.f32 v1;
	_ =	sdelay $0x4  }
0x1ae: {  	v50 =	vld [tilespmem:$0x7D0];
	_ =	sdelay $0x1  }
0x1af: {  	v51 =	vld [tilespmem:$0x3D0]  }
0x1b0: {  	v52 =	vpop (erf)  }
0x1b1: {  	v53 =	vpop (erf)  }
0x1b2: {  	v0 =	vmul.f32 v50, v53;
	_ =	sdelay $0x1  }
0x1b3: {  	v54 =	vld [tilespmem:$0x5E0];
	v0 =	vadd.f32 v0, v51;
	_ =	sdelay $0x1  }
0x1b4: {  	v0 =	vmul.f32 $2.302585120e+00, v0;
	_ =	sdelay $0x1  }
0x1b5: {  	v0 =	vmul.f32 $1.442695020e+00, v0  }
0x1b6: {  	v1 =	vmul.f32 $1.442695020e+00, v54  }
0x1b7: {  	(erf) = vpow2.f32 v0  }
0x1b8: {  	(erf) = vpow2.f32 v1;
	_ =	sdelay $0x4  }
0x1b9: {  	v55 =	vld [tilespmem:$0x7E0];
	_ =	sdelay $0x1  }
0x1ba: {  	v56 =	vld [tilespmem:$0x3E0]  }
0x1bb: {  	v57 =	vpop (erf)  }
0x1bc: {  	v58 =	vpop (erf)  }
0x1bd: {  	v0 =	vmul.f32 v55, v58;
	_ =	sdelay $0x1  }
0x1be: {  	v59 =	vld [tilespmem:$0x5F0];
	v0 =	vadd.f32 v0, v56;
	_ =	sdelay $0x1  }
0x1bf: {  	v0 =	vmul.f32 $2.302585120e+00, v0;
	_ =	sdelay $0x1  }
0x1c0: {  	v0 =	vmul.f32 $1.442695020e+00, v0  }
0x1c1: {  	v1 =	vmul.f32 $1.442695020e+00, v59  }
0x1c2: {  	(erf) = vpow2.f32 v0  }
0x1c3: {  	(erf) = vpow2.f32 v1;
	_ =	sdelay $0x4  }
0x1c4: {  	v60 =	vld [tilespmem:$0x7F0];
	_ =	sdelay $0x1  }
0x1c5: {  	v61 =	vld [tilespmem:$0x3F0]  }
0x1c6: {  	v62 =	vpop (erf)  }
0x1c7: {  	v63 =	vpop (erf)  }
0x1c8: {  	v0 =	vmul.f32 v60, v63;
	_ =	sdelay $0x1  }
0x1c9: {  	v0 =	vadd.f32 v0, v61;
	_ =	sdelay $0x1  }
0x1ca: {  	v0 =	vmul.f32 $2.302585120e+00, v0;
	_ =	sdelay $0x1  }
0x1cb: {  	v0 =	vmul.f32 $1.442695020e+00, v0;
	_ =	sdelay $0x1  }
0x1cc: {  	(erf) = vpow2.f32 v0;
	_ =	sdelay $0x2  }
0x1cd: {  	[tilespmem:$0x980] =	vst v32  }
0x1ce: {  	[tilespmem:$0x990] =	vst v37  }
0x1cf: {  	[tilespmem:$0x9A0] =	vst v42  }
0x1d0: {  	[tilespmem:$0x9B0] =	vst v47  }
0x1d1: {  	[tilespmem:$0x9C0] =	vst v52  }
0x1d2: {  	[tilespmem:$0x9D0] =	vst v57  }
0x1d3: {  	[tilespmem:$0x9E0] =	vst v62;
	v0 =	vpop (erf)  }
0x1d4: {  	[tilespmem:$0x9F0] =	vst v0  }
0x1d5: {  	[hbm4b:s10+s4] =	stream.linear.scatter [tilespmem:s31], [sflag:$0x4], $0x80, $0x38;
	[tilespmem:$0xA00] =	vst v63  }
0x1d6: {  	_ =	swait.ge [sflag:s0], $0x80  }
0x1d7: {  	[sflag:s0] =	ssyncset.done $0x0  }
0x1d8: {  	[sflag:s0] =	ssyncadd.s32 $0xFFFFFF80  }
0x1d9: {  	_ =	swait.ge [sflag:s0], $0x80  }
0x1da: {  	[sflag:s0] =	ssyncset.done $0x0  }
0x1db: {  	[sflag:s0] =	ssyncadd.s32 $0xFFFFFF80  }
0x1dc: {  	p0 =	sne.s32 s11, $0x1;
	_ =	swait.ge [sflag:s0], $0x80  }
.Ltmp0:
0x1dd: {  	[sflag:s0] =	ssyncset.done $0x0;
	(pc) =	sbr.rel @p0 .LBB2_1-.Ltmp0, $4  }
0x1de: {  	[sflag:s0] =	ssyncadd.s32 $0xFFFFFF80  }
0x1df: {  	_ =	swait.ge [sflag:s0], $0x80  }
0x1e0: {  	[sflag:s0] =	ssyncset.done $0x0  }
0x1e1: {  	s11 =	sadd.s32 $0xFFFFFFFF, s11;
	[sflag:s0] =	ssyncadd.s32 $0xFFFFFF80  }
0x1e2: {  	_ =	sfence.sel $0x180000  }
0x1e3: {  	[bflag:$0x0] =	sbarrier.arrive $0xFFFF  }
0x1e4: {  	_ =	strace $0x90000047  }
0x1e5: {  	s0 =	stileid.u32;
	[bflag:$0x2] =	sbarrier.arrive $0xFFFF  }
0x1e6: {  	p0 =	sne.s32 s0, $0x0;
	s0 =	rddreg [dreg:$0x5]  }
0x1e7: {  	s0 =	sadd.s32 @!p0 $0x100000, s0  }
0x1e8: {  	[sflag:s0] =	ssyncadd.tile.s32 @!p0 $0x1;
	_ =	shalt  }
.Lfunc_end2:
_tile_overlayer_lowered:
.L_overlay_start_2:
0x1e9: {  	(tag) =	ssettag $0x2  }
0x1ea: {  	s0 =	rddreg [dreg:$0x0];
	s2 =	stileid.u32  }
0x1eb: {  	s1 =	rddreg [dreg:$0x1];
	p0 =	sne.s32 s2, $0x0  }
0x1ec: {  	s3 =	rddreg [dreg:$0x2];
	[bflag:$0x3] =	sbarrier.arrive $0xFFFF;
	s2 =	simm.s32 @!p0 $0x1C05  }
0x1ed: {  	[timem:s3], [sflag:s2] =	dma.local @!p0 [hbm:s0], s1  }
0x1ee: {  	s0 =	simm.s32 @!p0 $0x5  }
0x1ef: {  	_ =	swait.ge @!p0 [sflag:s0], s1  }
0x1f0: {  	s1 =	ssub.s32 @!p0 $0x0, s1;
	[sflag:s0] =	ssyncset.done @!p0 $0x0  }
0x1f1: {  	[sflag:s0] =	ssyncadd.s32 @!p0 s1  }
0x1f2: {  	[bflag:$0x3] =	sbarrier.arrive $0xFFFF  }
0x1f3: {  	_ =	shalt  }

</sc_bundles>
